<compile_context>
chip_gen: v7x
topology: tpu7x:2x2x1
jax: 0.10.2.dev20260603
libtpu: 0.0.44.dev20260713+nightly
codegen_flags: <defaults>
</compile_context>

<pallas_src>
import dataclasses
import functools

import jax
import jax.numpy as jnp
from jax import lax
from jax.experimental import pallas as pl
from jax.experimental.pallas import tpu as pltpu
from jax.experimental.pallas import tpu_sc as plsc

NC = 2
NS = 16
L = 16



def _project_body(params_ref, depth_ref, idx_ref, dd_ref, *, b, blkn, w, h):
    def p(i):
        return params_ref[:, i][:, None]

    fx_s, fy_s, cx_s, cy_s = p(0), p(1), p(2), p(3)
    fx_d, fy_d, cx_d, cy_d = p(4), p(5), p(6), p(7)
    r00, r01, r02 = p(8), p(9), p(10)
    r10, r11, r12 = p(11), p(12), p(13)
    r20, r21, r22 = p(14), p(15), p(16)
    t0, t1, t2 = p(17), p(18), p(19)

    pix = pl.program_id(0) * blkn + lax.broadcasted_iota(jnp.int32, (b, blkn), 1)
    ys = (pix // w).astype(jnp.float32)
    xs = (pix % w).astype(jnp.float32)
    z = depth_ref[...]

    x = (xs - cx_s) / fx_s * z
    y = (ys - cy_s) / fy_s * z

    bf = lambda a: a.astype(jnp.bfloat16).astype(jnp.float32)
    xb, yb, zb = bf(x), bf(y), bf(z)

    def twosum(a_, b_):
        s_ = a_ + b_
        bb = s_ - a_
        return s_, (a_ - (s_ - bb)) + (b_ - bb)

    def mxu3(ra, rb_, rc, tsc):
        p0, p1, p2 = bf(ra) * xb, bf(rb_) * yb, bf(rc) * zb
        s1, e1 = twosum(p0, p1)
        s2, e2 = twosum(s1, p2)
        return s2 + (e1 + e2) + tsc

    x2 = mxu3(r00, r01, r02, t0)
    y2 = mxu3(r10, r11, r12, t1)
    z2 = mxu3(r20, r21, r22, t2)
    zs = jnp.where(jnp.abs(z2) > 1e-6, z2, 1e-6)
    u = fx_d * x2 / zs + cx_d
    v = fy_d * y2 / zs + cy_d
    ui = jnp.round(u).astype(jnp.int32)
    vi = jnp.round(v).astype(jnp.int32)
    valid = ((ui >= 0) & (ui < w) & (vi >= 0) & (vi < h)
             & (z2 > 1e-6) & (z > 1e-6))
    idx_ref[...] = jnp.where(valid, vi * w + ui, -1)
    dd_ref[...] = z2


def _project(depth_flat, params, h, w):
    b, n = depth_flat.shape
    blkn = 8192
    body = functools.partial(_project_body, b=b, blkn=blkn, w=w, h=h)
    return pl.pallas_call(
        body,
        grid=(n // blkn,),
        in_specs=[
            pl.BlockSpec((b, 20), lambda r: (0, 0)),
            pl.BlockSpec((b, blkn), lambda r: (0, r)),
        ],
        out_specs=[
            pl.BlockSpec((b, blkn), lambda r: (0, r)),
            pl.BlockSpec((b, blkn), lambda r: (0, r)),
        ],
        out_shape=[
            jax.ShapeDtypeStruct((b, n), jnp.int32),
            jax.ShapeDtypeStruct((b, n), jnp.float32),
        ],
    )(params, depth_flat)



def _sc_compiler_params():
    cp = pltpu.CompilerParams()
    fields = pltpu.CompilerParams.__dataclass_fields__
    if "needs_layout_passes" in fields:
        cp = dataclasses.replace(cp, needs_layout_passes=False)
    if "use_tc_tiling_on_sc" in fields:
        cp = dataclasses.replace(cp, use_tc_tiling_on_sc=False)
    return cp


def _make_scatter(b, n, ch, h, w, margin):
    bins = n // NS
    rows_per_tile = h // NS
    ipc = b // NC
    mesh = plsc.VectorSubcoreMesh(core_axis_name="c", subcore_axis_name="s")
    f32 = jnp.float32

    @functools.partial(
        pl.kernel,
        mesh=mesh,
        out_type=[
            jax.ShapeDtypeStruct((b, n), f32),
            jax.ShapeDtypeStruct((b, n), f32),
            jax.ShapeDtypeStruct((b, n), f32),
            jax.ShapeDtypeStruct((b, n), f32),
            jax.ShapeDtypeStruct((b, n), f32),
        ],
        scratch_types=[
            pltpu.VMEM((bins,), f32),
            pltpu.VMEM((bins,), f32),
            pltpu.VMEM((bins,), f32),
            pltpu.VMEM((bins,), f32),
            pltpu.VMEM((bins,), f32),
            pltpu.VMEM((ch,), jnp.int32),
            pltpu.VMEM((ch,), f32),
            pltpu.VMEM((ch,), f32),
            pltpu.VMEM((ch,), f32),
            pltpu.VMEM((ch,), f32),
            pltpu.VMEM((ch,), jnp.int32),
            pltpu.VMEM((ch,), f32),
            pltpu.VMEM((ch,), f32),
            pltpu.VMEM((ch,), f32),
            pltpu.VMEM((ch,), f32),
            pltpu.SemaphoreType.DMA,
            pltpu.SemaphoreType.DMA,
            pltpu.SemaphoreType.DMA,
        ],
        compiler_params=_sc_compiler_params(),
    )
    def scatter_kernel(idx_hbm, dd_hbm, r_hbm, g_hbm, b_hbm,
                       ar_out, ag_out, ab_out, cnt_out, zb_out,
                       zbuf, cnt, ar, ag, ab,
                       ic0, dc0, rc0, gc0, bc0,
                       ic1, dc1, rc1, gc1, bc1,
                       sem0, sem1, osem):
        cid = lax.axis_index("c")
        sid = lax.axis_index("s")
        lo = sid * bins
        p_lo = jnp.maximum(sid * rows_per_tile - margin, 0) * w
        p_hi = jnp.minimum((sid + 1) * rows_per_tile + margin, h) * w

        sets1 = [((idx_hbm, ic0), (dd_hbm, dc0)),
                 ((idx_hbm, ic1), (dd_hbm, dc1))]
        sets2 = [((idx_hbm, ic0), (dd_hbm, dc0), (r_hbm, rc0), (g_hbm, gc0), (b_hbm, bc0)),
                 ((idx_hbm, ic1), (dd_hbm, dc1), (r_hbm, rc1), (g_hbm, gc1), (b_hbm, bc1))]
        sems = [sem0, sem1]

        def _proc1(ic, dc):
            def _vb1(i, acc):
                s = pl.ds(i * L, L)
                loc = ic[s] - lo
                dv = dc[s]
                m = (loc >= 0) & (loc < bins)
                locs = jnp.where(m, loc, 0)
                cur = plsc.load_gather(zbuf, [locs], mask=m)
                need = m & (dv < cur)
                plsc.store_scatter(zbuf, [locs], dv, mask=need)
                cur2 = plsc.load_gather(zbuf, [locs], mask=need)
                fail = need & (dv < cur2)
                return acc | fail.astype(jnp.int32)

            failv = lax.fori_loop(0, ch // L, _vb1, jnp.zeros((L,), jnp.int32))
            anyf = plsc.all_reduce_population_count(failv != 0)[0] > 0

            @pl.when(anyf)
            def _redo():
                @pl.loop(0, ch, step=L)
                def _vec1(i):
                    s = pl.ds(i, L)
                    loc = ic[s] - lo
                    dv = dc[s]
                    m = (loc >= 0) & (loc < bins)
                    locs = jnp.where(m, loc, 0)
                    cur = plsc.load_gather(zbuf, [locs], mask=m)
                    need = m & (dv < cur)

                    def cond(need_):
                        return plsc.all_reduce_population_count(need_)[0] > 0

                    def body(need_):
                        plsc.store_scatter(zbuf, [locs], dv, mask=need_)
                        cur3 = plsc.load_gather(zbuf, [locs], mask=need_)
                        return need_ & (dv < cur3)

                    lax.while_loop(cond, body, need)

        def _proc2(ic, dc, rc, gc, bc):
            @pl.loop(0, ch, step=L)
            def _vec2(i):
                s = pl.ds(i, L)
                loc = ic[s] - lo
                dv = dc[s]
                m = (loc >= 0) & (loc < bins)
                locs = jnp.where(m, loc, 0)
                zb = plsc.load_gather(zbuf, [locs], mask=m)
                win = m & (dv <= zb * (1.0 + 1e-5) + 1e-5)
                plsc.addupdate_scatter(cnt, [locs], jnp.ones((L,), f32), mask=win)
                plsc.addupdate_scatter(ar, [locs], rc[s], mask=win)
                plsc.addupdate_scatter(ag, [locs], gc[s], mask=win)
                plsc.addupdate_scatter(ab, [locs], bc[s], mask=win)

        @pl.loop(0, ipc)
        def _img(k):
            bi = cid * ipc + k

            @pl.loop(0, bins, step=L)
            def _reset(i):
                s = pl.ds(i, L)
                zbuf[s] = jnp.full((L,), jnp.inf, f32)
                zero = jnp.zeros((L,), f32)
                cnt[s] = zero
                ar[s] = zero
                ag[s] = zero
                ab[s] = zero

            def _issue(pairs, c0, sm):
                for hb, vm in pairs:
                    pltpu.async_copy(hb.at[bi, pl.ds(c0, ch)], vm, sm)

            def _drain(pairs, c0, sm):
                for hb, vm in pairs:
                    pltpu.make_async_copy(hb.at[bi, pl.ds(c0, ch)], vm, sm).wait()

            def _run_pass(sets, proc):
                _issue(sets[0], p_lo, sems[0])

                @pl.loop(0, (p_hi - p_lo) // (2 * ch))
                def _pair(kk):
                    c0 = p_lo + kk * (2 * ch)
                    c1 = c0 + ch
                    c2 = c0 + 2 * ch
                    _issue(sets[1], c1, sems[1])
                    _drain(sets[0], c0, sems[0])
                    proc(*[vm for _, vm in sets[0]])

                    @pl.when(c2 < p_hi)
                    def _():
                        _issue(sets[0], c2, sems[0])

                    _drain(sets[1], c1, sems[1])
                    proc(*[vm for _, vm in sets[1]])

            _run_pass(sets1, _proc1)
            _run_pass(sets2, _proc2)

            dst = pl.ds(lo, bins)
            outs = [(ar, ar_out), (ag, ag_out), (ab, ab_out),
                    (cnt, cnt_out), (zbuf, zb_out)]
            hs = [pltpu.async_copy(vm, ob.at[bi, dst], osem) for vm, ob in outs]
            for h_ in hs:
                h_.wait()

    return scatter_kernel



def _finalize_body(ar_ref, ag_ref, ab_ref, cnt_ref, zb_ref,
                   r_ref, g_ref, b_ref, dep_ref, msk_ref):
    cv = cnt_ref[...]
    valid = cv > 0.0
    denom = jnp.maximum(cv, 1.0)
    r_ref[...] = ar_ref[...] / denom
    g_ref[...] = ag_ref[...] / denom
    b_ref[...] = ab_ref[...] / denom
    dep_ref[...] = jnp.where(valid, zb_ref[...], 0.0)
    msk_ref[...] = jnp.where(valid, 1.0, 0.0)


def _finalize(ar, ag, ab, cnt, zb):
    b, n = cnt.shape
    blkn = 32768
    spec = pl.BlockSpec((b, blkn), lambda r: (0, r))
    return pl.pallas_call(
        _finalize_body,
        grid=(n // blkn,),
        in_specs=[spec] * 5,
        out_specs=[spec] * 5,
        out_shape=[jax.ShapeDtypeStruct((b, n), jnp.float32)] * 5,
    )(ar, ag, ab, cnt, zb)


def kernel(image, depth, src_intrinsics, dst_intrinsics, src_to_dst):
    b, c, h, w = image.shape
    n = h * w

    ks, kd, t = src_intrinsics, dst_intrinsics, src_to_dst
    params = jnp.stack(
        [ks[:, 0, 0], ks[:, 1, 1], ks[:, 0, 2], ks[:, 1, 2],
         kd[:, 0, 0], kd[:, 1, 1], kd[:, 0, 2], kd[:, 1, 2],
         t[:, 0, 0], t[:, 0, 1], t[:, 0, 2],
         t[:, 1, 0], t[:, 1, 1], t[:, 1, 2],
         t[:, 2, 0], t[:, 2, 1], t[:, 2, 2],
         t[:, 0, 3], t[:, 1, 3], t[:, 2, 3]],
        axis=1)

    idx, dd = _project(depth.reshape(b, n), params, h, w)
    img_flat = image.reshape(b, c, n)
    scatter = _make_scatter(b, n, 4096, h, w, margin=16)
    ar, ag, ab, cnt, zb = scatter(idx, dd, img_flat[:, 0], img_flat[:, 1],
                                  img_flat[:, 2])
    r, g, bl, dep, msk = _finalize(ar, ag, ab, cnt, zb)

    warped_rgb = jnp.stack([r, g, bl], axis=1).reshape(b, c, h, w)
    warped_depth = dep.reshape(b, 1, h, w)
    valid_mask = msk.reshape(b, 1, h, w).astype(bool)
    return (warped_rgb, warped_depth, valid_mask, ~valid_mask)

# --- scband reference (transcript-rebuilt; emitter-appended) ---
"""Pipeline reference for scband-geometric-warper-52527450030283 (READ-ONLY COPY).

The authoritative reference and input builder live on the scoring server;
editing this copy changes nothing except your own understanding.
"""

import jax, jax.numpy as jnp
import numpy as np

B, C, H, W = 8, 3, 512, 512


def _make_intrinsics():
    fx = 0.8 * W
    fy = 0.8 * H
    cx = W / 2.0
    cy = H / 2.0
    K = jnp.array([[fx, 0.0, cx], [0.0, fy, cy], [0.0, 0.0, 1.0]], dtype=jnp.float32)
    return jnp.tile(K[None], (B, 1, 1))


def setup_inputs(seed: int = 0) -> dict:
    key = jax.random.key(seed)
    k1, k2 = jax.random.split(key, 2)
    image = jax.random.uniform(k1, (B, C, H, W), dtype=jnp.float32)
    depth = jax.random.uniform(k2, (B, 1, H, W), dtype=jnp.float32) * 4.0 + 1.0
    src_intrinsics = _make_intrinsics()
    dst_intrinsics = _make_intrinsics()
    theta = 0.05
    Rm = np.array([[np.cos(theta), 0.0, np.sin(theta)],
                   [0.0, 1.0, 0.0],
                   [-np.sin(theta), 0.0, np.cos(theta)]], dtype=np.float32)
    T = np.eye(4, dtype=np.float32)
    T[:3, :3] = Rm
    T[:3, 3] = np.array([0.05, 0.0, 0.02], dtype=np.float32)
    src_to_dst = jnp.tile(jnp.asarray(T)[None], (B, 1, 1))
    return {"image": image, "depth": depth, "src_intrinsics": src_intrinsics,
            "dst_intrinsics": dst_intrinsics, "src_to_dst": src_to_dst}


def valid_depth_mask(depth):
    return depth > 1e-6


def backproject(depth, K):
    b, _, h, w = depth.shape
    ys, xs = jnp.meshgrid(jnp.arange(h, dtype=jnp.float32), jnp.arange(w, dtype=jnp.float32), indexing='ij')
    fx = K[:, 0, 0][:, None, None]
    fy = K[:, 1, 1][:, None, None]
    cx = K[:, 0, 2][:, None, None]
    cy = K[:, 1, 2][:, None, None]
    z = depth[:, 0]
    x = (xs[None] - cx) / fx * z
    y = (ys[None] - cy) / fy * z
    return jnp.stack([x, y, z], axis=1)


def transform_points(points, T):
    b = points.shape[0]
    R = T[:, :3, :3]
    t = T[:, :3, 3]
    flat = points.reshape(b, 3, -1)
    out = jnp.einsum('bij,bjn->bin', R, flat) + t[:, :, None]
    return out.reshape(points.shape)


def project(points, K):
    x, y, z = points[:, 0], points[:, 1], points[:, 2]
    zs = jnp.where(jnp.abs(z) > 1e-6, z, 1e-6)
    fx = K[:, 0, 0][:, None, None]
    fy = K[:, 1, 1][:, None, None]
    cx = K[:, 0, 2][:, None, None]
    cy = K[:, 1, 2][:, None, None]
    u = fx * x / zs + cx
    v = fy * y / zs + cy
    return jnp.stack([u, v], axis=1), z


def compute_projection_mask(flat_pixels, flat_depth, hw):
    h, w = hw
    u = jnp.round(flat_pixels[:, 0]).astype(jnp.int32)
    v = jnp.round(flat_pixels[:, 1]).astype(jnp.int32)
    valid = (u >= 0) & (u < w) & (v >= 0) & (v < h) & (flat_depth > 1e-6)
    linear_idx = jnp.clip(v, 0, h - 1) * w + jnp.clip(u, 0, w - 1)
    return valid, linear_idx


def z_buffer_scatter(flat_rgb, flat_depth, linear_idx, hw):
    h, w = hw
    hw_flat = h * w

    def one(rgb, d, idx):
        valid = idx >= 0
        idx_safe = jnp.where(valid, idx, hw_flat)
        d_m = jnp.where(valid, d, jnp.inf)
        zbuf = jnp.full((hw_flat + 1,), jnp.inf, dtype=d.dtype).at[idx_safe].min(d_m)
        winner = valid & (d_m <= zbuf[idx_safe] * (1.0 + 1e-5) + 1e-5)
        wf = winner.astype(rgb.dtype)
        count = jnp.zeros((hw_flat + 1,), rgb.dtype).at[idx_safe].add(wf)
        rgb_acc = jnp.zeros((hw_flat + 1, rgb.shape[0]), rgb.dtype).at[idx_safe].add(rgb.T * wf[:, None])
        denom = jnp.maximum(count, 1.0)
        warped_rgb = (rgb_acc / denom[:, None])[:hw_flat].T.reshape(rgb.shape[0], h, w)
        valid_mask_flat = count[:hw_flat] > 0
        zb = jnp.where(valid_mask_flat, zbuf[:hw_flat], 0.0)
        warped_depth = zb.reshape(h, w)
        valid_mask = valid_mask_flat.reshape(h, w)
        return warped_rgb, warped_depth, valid_mask

    wr, wd, vm = jax.vmap(one)(flat_rgb, flat_depth, linear_idx)
    return wr, wd[:, None], vm[:, None]


def reference(image, depth, src_intrinsics, dst_intrinsics, src_to_dst):
    batch, _, height, width = image.shape
    depth_valid = valid_depth_mask(depth)
    points_src = backproject(depth, src_intrinsics)
    points_dst = transform_points(points_src, src_to_dst)
    pixels_dst, depth_dst = project(points_dst, dst_intrinsics)
    flat_pixels = pixels_dst.reshape(batch, 2, -1)
    flat_depth = depth_dst.reshape(batch, -1)
    flat_valid = depth_valid.reshape(batch, -1)
    valid_proj, linear_idx = compute_projection_mask(flat_pixels, flat_depth, (height, width))
    flat_rgb = image.reshape(batch, image.shape[1], -1)
    linear_idx = jnp.where(flat_valid & valid_proj, linear_idx, jnp.full_like(linear_idx, -1))
    warped_rgb, warped_depth, valid_mask = z_buffer_scatter(flat_rgb, flat_depth, linear_idx, (height, width))
    hole_mask = ~valid_mask
    return (warped_rgb, warped_depth, valid_mask, hole_mask)

if __name__ == "__main__":
    import jax
    _d = setup_inputs()
    print(jax.jit(kernel)(*tuple(_d.values())))

</pallas_src>

<mosaic_0001>
#map = affine_map<(d0, d1) -> (0, 0)>
module attributes {stable_mosaic.version = 14 : i64} {
  func.func @scatter_kernel(%arg0: i32, %arg1: i32, %arg2: memref<8x262144xi32, #tpu.memory_space<hbm>>, %arg3: memref<8x262144xf32, #tpu.memory_space<hbm>>, %arg4: memref<8x262144xf32, #tpu.memory_space<hbm>>, %arg5: memref<8x262144xf32, #tpu.memory_space<hbm>>, %arg6: memref<8x262144xf32, #tpu.memory_space<hbm>>, %arg7: memref<8x262144xf32, #tpu.memory_space<hbm>>, %arg8: memref<8x262144xf32, #tpu.memory_space<hbm>>, %arg9: memref<8x262144xf32, #tpu.memory_space<hbm>>, %arg10: memref<8x262144xf32, #tpu.memory_space<hbm>>, %arg11: memref<8x262144xf32, #tpu.memory_space<hbm>>, %arg12: memref<16384xf32, #tpu.memory_space<vmem>>, %arg13: memref<16384xf32, #tpu.memory_space<vmem>>, %arg14: memref<16384xf32, #tpu.memory_space<vmem>>, %arg15: memref<16384xf32, #tpu.memory_space<vmem>>, %arg16: memref<16384xf32, #tpu.memory_space<vmem>>, %arg17: memref<4096xi32, #tpu.memory_space<vmem>>, %arg18: memref<4096xf32, #tpu.memory_space<vmem>>, %arg19: memref<4096xf32, #tpu.memory_space<vmem>>, %arg20: memref<4096xf32, #tpu.memory_space<vmem>>, %arg21: memref<4096xf32, #tpu.memory_space<vmem>>, %arg22: memref<4096xi32, #tpu.memory_space<vmem>>, %arg23: memref<4096xf32, #tpu.memory_space<vmem>>, %arg24: memref<4096xf32, #tpu.memory_space<vmem>>, %arg25: memref<4096xf32, #tpu.memory_space<vmem>>, %arg26: memref<4096xf32, #tpu.memory_space<vmem>>, %arg27: memref<!tpu.dma_semaphore, #tpu.memory_space<semaphore_mem>>, %arg28: memref<!tpu.dma_semaphore, #tpu.memory_space<semaphore_mem>>, %arg29: memref<!tpu.dma_semaphore, #tpu.memory_space<semaphore_mem>>) attributes {dimension_semantics = [#tpu.dimension_semantics<core_parallel>, #tpu.dimension_semantics<subcore_parallel>], iteration_bounds = array<i64: 2, 16>, scalar_prefetch = 0 : i64, scratch_operands = 18 : i64, tpu.core_type = #tpu.core_type<sc_vector_subcore>, window_params = [{transform_indices = #map}, {transform_indices = #map}, {transform_indices = #map}, {transform_indices = #map}, {transform_indices = #map}, {transform_indices = #map}, {transform_indices = #map}, {transform_indices = #map}, {transform_indices = #map}, {transform_indices = #map}]} {
    %mul3A = arith.constant 16384 : i32
    %mul3A_0 = arith.muli %arg1, %mul3A : i32
    %mul3A_1 = arith.constant 32 : i32
    %mul3A_2 = arith.muli %arg1, %mul3A_1 : i32
    %sub3A = arith.constant 16 : i32
    %sub3A_3 = arith.subi %mul3A_2, %sub3A : i32
    %max3A = arith.constant 0 : i32
    %max3A_4 = arith.maxsi %sub3A_3, %max3A : i32
    %mul3A_5 = arith.constant 512 : i32
    %mul3A_6 = arith.muli %max3A_4, %mul3A_5 : i32
    %add3A = arith.constant 1 : i32
    %add3A_7 = arith.addi %arg1, %add3A : i32
    %mul3A_8 = arith.constant 32 : i32
    %mul3A_9 = arith.muli %add3A_7, %mul3A_8 : i32
    %add3A_10 = arith.constant 16 : i32
    %add3A_11 = arith.addi %mul3A_9, %add3A_10 : i32
    %min3A = arith.constant 512 : i32
    %min3A_12 = arith.minsi %add3A_11, %min3A : i32
    %mul3A_13 = arith.constant 512 : i32
    %mul3A_14 = arith.muli %min3A_12, %mul3A_13 : i32
    %scan3A = arith.constant 0 : i32
    %scan3A_15 = arith.constant 4 : i32
    %scan3A_16 = arith.addi %scan3A, %scan3A_15 : i32
    %scan3A_17 = arith.constant 1 : i32
    scf.for %scan3A_19 = %scan3A to %scan3A_16 step %scan3A_17  : i32 {
      %mul3A_20 = arith.constant 1 : i32
      %mul3A_21 = arith.muli %scan3A_19, %mul3A_20 : i32
      %add3A_22 = arith.constant 0 : i32
      %add3A_23 = arith.addi %add3A_22, %mul3A_21 : i32
      %mul3A_24 = arith.constant 4 : i32
      %mul3A_25 = arith.muli %arg0, %mul3A_24 : i32
      %add3A_26 = arith.addi %mul3A_25, %add3A_23 : i32
      %scan3A_27 = arith.constant 0 : i32
      %scan3A_28 = arith.constant 1024 : i32
      %scan3A_29 = arith.addi %scan3A_27, %scan3A_28 : i32
      %scan3A_30 = arith.constant 1 : i32
      scf.for %scan3A_178 = %scan3A_27 to %scan3A_29 step %scan3A_30  : i32 {
        %mul3A_179 = arith.constant 16 : i32
        %mul3A_180 = arith.muli %scan3A_178, %mul3A_179 : i32
        %add3A_181 = arith.constant 0 : i32
        %add3A_182 = arith.addi %add3A_181, %mul3A_180 : i32
        %broadcast_in_dim3A = arith.constant 0x7F800000 : f32
        %broadcast_in_dim3A_183 = vector.broadcast %broadcast_in_dim3A : f32 to vector<16xf32>
        %swap3A = arith.index_cast %add3A_182 : i32 to index
        %swap3A_184 = tpu.vector_load %arg12[%swap3A] {strides = array<i32>} : memref<16384xf32, #tpu.memory_space<vmem>>, vector<16xf32>,
        tpu.vector_store %arg12[%swap3A], %broadcast_in_dim3A_183 {strides = array<i32>} : memref<16384xf32, #tpu.memory_space<vmem>>, vector<16xf32>,
        %broadcast_in_dim3A_185 = arith.constant 0.000000e+00 : f32
        %broadcast_in_dim3A_186 = vector.broadcast %broadcast_in_dim3A_185 : f32 to vector<16xf32>
        %swap3A_187 = arith.index_cast %add3A_182 : i32 to index
        %swap3A_188 = tpu.vector_load %arg13[%swap3A_187] {strides = array<i32>} : memref<16384xf32, #tpu.memory_space<vmem>>, vector<16xf32>,
        tpu.vector_store %arg13[%swap3A_187], %broadcast_in_dim3A_186 {strides = array<i32>} : memref<16384xf32, #tpu.memory_space<vmem>>, vector<16xf32>,
        %swap3A_189 = arith.index_cast %add3A_182 : i32 to index
        %swap3A_190 = tpu.vector_load %arg14[%swap3A_189] {strides = array<i32>} : memref<16384xf32, #tpu.memory_space<vmem>>, vector<16xf32>,
        tpu.vector_store %arg14[%swap3A_189], %broadcast_in_dim3A_186 {strides = array<i32>} : memref<16384xf32, #tpu.memory_space<vmem>>, vector<16xf32>,
        %swap3A_191 = arith.index_cast %add3A_182 : i32 to index
        %swap3A_192 = tpu.vector_load %arg15[%swap3A_191] {strides = array<i32>} : memref<16384xf32, #tpu.memory_space<vmem>>, vector<16xf32>,
        tpu.vector_store %arg15[%swap3A_191], %broadcast_in_dim3A_186 {strides = array<i32>} : memref<16384xf32, #tpu.memory_space<vmem>>, vector<16xf32>,
        %swap3A_193 = arith.index_cast %add3A_182 : i32 to index
        %swap3A_194 = tpu.vector_load %arg16[%swap3A_193] {strides = array<i32>} : memref<16384xf32, #tpu.memory_space<vmem>>, vector<16xf32>,
        tpu.vector_store %arg16[%swap3A_193], %broadcast_in_dim3A_186 {strides = array<i32>} : memref<16384xf32, #tpu.memory_space<vmem>>, vector<16xf32>,
      }
      %scan3A_31 = arith.constant 1024 : i32
      %dma_start3A = tpu.memref_slice %arg2[%add3A_26, %mul3A_6] : memref<8x262144xi32, #tpu.memory_space<hbm>> -> memref<1x4096xi32, #tpu.memory_space<hbm>>
      %dma_start3A_32 = tpu.memref_squeeze %dma_start3A : memref<1x4096xi32, #tpu.memory_space<hbm>> -> memref<4096xi32, #tpu.memory_space<hbm>>
      %dma_start3A_33 = tpu.memref_slice %arg2[%add3A_26, %mul3A_6] : memref<8x262144xi32, #tpu.memory_space<hbm>> -> memref<1x4096xi32, #tpu.memory_space<hbm>>
      %dma_start3A_34 = tpu.memref_squeeze %dma_start3A_33 : memref<1x4096xi32, #tpu.memory_space<hbm>> -> memref<4096xi32, #tpu.memory_space<hbm>>
      tpu.enqueue_dma source(%dma_start3A_34 : memref<4096xi32, #tpu.memory_space<hbm>>) target(%arg17 : memref<4096xi32, #tpu.memory_space<vmem>>) target_semaphore(%arg27 : memref<!tpu.dma_semaphore, #tpu.memory_space<semaphore_mem>>)
      %dma_start3A_35 = tpu.memref_slice %arg3[%add3A_26, %mul3A_6] : memref<8x262144xf32, #tpu.memory_space<hbm>> -> memref<1x4096xf32, #tpu.memory_space<hbm>>
      %dma_start3A_36 = tpu.memref_squeeze %dma_start3A_35 : memref<1x4096xf32, #tpu.memory_space<hbm>> -> memref<4096xf32, #tpu.memory_space<hbm>>
      %dma_start3A_37 = tpu.memref_slice %arg3[%add3A_26, %mul3A_6] : memref<8x262144xf32, #tpu.memory_space<hbm>> -> memref<1x4096xf32, #tpu.memory_space<hbm>>
      %dma_start3A_38 = tpu.memref_squeeze %dma_start3A_37 : memref<1x4096xf32, #tpu.memory_space<hbm>> -> memref<4096xf32, #tpu.memory_space<hbm>>
      tpu.enqueue_dma source(%dma_start3A_38 : memref<4096xf32, #tpu.memory_space<hbm>>) target(%arg18 : memref<4096xf32, #tpu.memory_space<vmem>>) target_semaphore(%arg27 : memref<!tpu.dma_semaphore, #tpu.memory_space<semaphore_mem>>)
      %sub3A_39 = arith.subi %mul3A_14, %mul3A_6 : i32
      %jit3A = arith.constant 8192 : i32
      %div3A = arith.divsi %sub3A_39, %jit3A : i32
      %sign3A = arith.constant 0 : i32
      %sign3A_40 = arith.cmpi sgt, %sub3A_39, %sign3A : i32
      %sign3A_41 = arith.extui %sign3A_40 : i1 to i32
      %sign3A_42 = arith.constant 0 : i32
      %sign3A_43 = arith.cmpi slt, %sub3A_39, %sign3A_42 : i32
      %sign3A_44 = arith.extui %sign3A_43 : i1 to i32
      %sign3A_45 = arith.subi %sign3A_41, %sign3A_44 : i32
      %sign3A_46 = arith.constant 0 : i32
      %sign3A_47 = arith.cmpi sgt, %jit3A, %sign3A_46 : i32
      %sign3A_48 = arith.extui %sign3A_47 : i1 to i32
      %sign3A_49 = arith.constant 0 : i32
      %sign3A_50 = arith.cmpi slt, %jit3A, %sign3A_49 : i32
      %sign3A_51 = arith.extui %sign3A_50 : i1 to i32
      %sign3A_52 = arith.subi %sign3A_48, %sign3A_51 : i32
      %ne3A = arith.cmpi ne, %sign3A_45, %sign3A_52 : i32
      %rem3A = arith.remsi %sub3A_39, %jit3A : i32
      %ne3A_53 = arith.constant 0 : i32
      %ne3A_54 = arith.cmpi ne, %rem3A, %ne3A_53 : i32
      %and3A = arith.andi %ne3A, %ne3A_54 : i1
      %sub3A_55 = arith.constant 1 : i32
      %sub3A_56 = arith.subi %div3A, %sub3A_55 : i32
      %select_n3A = arith.select %and3A, %sub3A_56, %div3A : i32
      %sub3A_57 = arith.constant 0 : i32
      %sub3A_58 = arith.subi %select_n3A, %sub3A_57 : i32
      %sub3A_59 = arith.constant 1 : i32
      %sub3A_60 = arith.constant 1 : i32
      %sub3A_61 = arith.subi %sub3A_59, %sub3A_60 : i32
      %add3A_62 = arith.addi %sub3A_58, %sub3A_61 : i32
      %div3A_63 = arith.constant 1 : i32
      %div3A_64 = arith.divsi %add3A_62, %div3A_63 : i32
      %while3A = arith.constant 1 : i32
      %while3A_65 = arith.constant 0 : i32
      %while3A_66 = arith.constant 0 : i32
      %while3A_67 = arith.subi %div3A_64, %while3A_66 : i32
      %while3A_68 = arith.addi %while3A_66, %while3A_67 : i32
      %while3A_69 = arith.constant 1 : i32
      %while3A_70 = arith.divsi %while3A_67, %while3A_69 : i32
      %while3A_71 = arith.muli %while3A_70, %while3A_69 : i32
      %while3A_72 = arith.addi %while3A_66, %while3A_71 : i32
      %while3A_73 = arith.constant 1 : i32
      scf.for %while3A_178 = %while3A_66 to %while3A_72 step %while3A_73  : i32 {
        %mul3A_179 = arith.muli %while3A_178, %while3A : i32
        %add3A_180 = arith.addi %while3A_65, %mul3A_179 : i32
        %mul3A_181 = arith.constant 8192 : i32
        %mul3A_182 = arith.muli %add3A_180, %mul3A_181 : i32
        %add3A_183 = arith.addi %mul3A_6, %mul3A_182 : i32
        %add3A_184 = arith.constant 4096 : i32
        %add3A_185 = arith.addi %add3A_183, %add3A_184 : i32
        %add3A_186 = arith.constant 8192 : i32
        %add3A_187 = arith.addi %add3A_183, %add3A_186 : i32
        %dma_start3A_188 = tpu.memref_slice %arg2[%add3A_26, %add3A_185] : memref<8x262144xi32, #tpu.memory_space<hbm>> -> memref<1x4096xi32, #tpu.memory_space<hbm>>
        %dma_start3A_189 = tpu.memref_squeeze %dma_start3A_188 : memref<1x4096xi32, #tpu.memory_space<hbm>> -> memref<4096xi32, #tpu.memory_space<hbm>>
        %dma_start3A_190 = tpu.memref_slice %arg2[%add3A_26, %add3A_185] : memref<8x262144xi32, #tpu.memory_space<hbm>> -> memref<1x4096xi32, #tpu.memory_space<hbm>>
        %dma_start3A_191 = tpu.memref_squeeze %dma_start3A_190 : memref<1x4096xi32, #tpu.memory_space<hbm>> -> memref<4096xi32, #tpu.memory_space<hbm>>
        tpu.enqueue_dma source(%dma_start3A_191 : memref<4096xi32, #tpu.memory_space<hbm>>) target(%arg22 : memref<4096xi32, #tpu.memory_space<vmem>>) target_semaphore(%arg28 : memref<!tpu.dma_semaphore, #tpu.memory_space<semaphore_mem>>)
        %dma_start3A_192 = tpu.memref_slice %arg3[%add3A_26, %add3A_185] : memref<8x262144xf32, #tpu.memory_space<hbm>> -> memref<1x4096xf32, #tpu.memory_space<hbm>>
        %dma_start3A_193 = tpu.memref_squeeze %dma_start3A_192 : memref<1x4096xf32, #tpu.memory_space<hbm>> -> memref<4096xf32, #tpu.memory_space<hbm>>
        %dma_start3A_194 = tpu.memref_slice %arg3[%add3A_26, %add3A_185] : memref<8x262144xf32, #tpu.memory_space<hbm>> -> memref<1x4096xf32, #tpu.memory_space<hbm>>
        %dma_start3A_195 = tpu.memref_squeeze %dma_start3A_194 : memref<1x4096xf32, #tpu.memory_space<hbm>> -> memref<4096xf32, #tpu.memory_space<hbm>>
        tpu.enqueue_dma source(%dma_start3A_195 : memref<4096xf32, #tpu.memory_space<hbm>>) target(%arg23 : memref<4096xf32, #tpu.memory_space<vmem>>) target_semaphore(%arg28 : memref<!tpu.dma_semaphore, #tpu.memory_space<semaphore_mem>>)
        %dma_wait3A_196 = tpu.memref_slice %arg2[%add3A_26, %add3A_183] : memref<8x262144xi32, #tpu.memory_space<hbm>> -> memref<1x4096xi32, #tpu.memory_space<hbm>>
        %dma_wait3A_197 = tpu.memref_squeeze %dma_wait3A_196 : memref<1x4096xi32, #tpu.memory_space<hbm>> -> memref<4096xi32, #tpu.memory_space<hbm>>
        %dma_wait3A_198 = tpu.memref_slice %arg2[%add3A_26, %add3A_183] : memref<8x262144xi32, #tpu.memory_space<hbm>> -> memref<1x4096xi32, #tpu.memory_space<hbm>>
        %dma_wait3A_199 = tpu.memref_squeeze %dma_wait3A_198 : memref<1x4096xi32, #tpu.memory_space<hbm>> -> memref<4096xi32, #tpu.memory_space<hbm>>
        tpu.wait_dma2 semaphore(%arg27 : memref<!tpu.dma_semaphore, #tpu.memory_space<semaphore_mem>>) src(%dma_wait3A_199 : memref<4096xi32, #tpu.memory_space<hbm>>) dst(%arg17 : memref<4096xi32, #tpu.memory_space<vmem>>)
        %dma_wait3A_200 = tpu.memref_slice %arg3[%add3A_26, %add3A_183] : memref<8x262144xf32, #tpu.memory_space<hbm>> -> memref<1x4096xf32, #tpu.memory_space<hbm>>
        %dma_wait3A_201 = tpu.memref_squeeze %dma_wait3A_200 : memref<1x4096xf32, #tpu.memory_space<hbm>> -> memref<4096xf32, #tpu.memory_space<hbm>>
        %dma_wait3A_202 = tpu.memref_slice %arg3[%add3A_26, %add3A_183] : memref<8x262144xf32, #tpu.memory_space<hbm>> -> memref<1x4096xf32, #tpu.memory_space<hbm>>
        %dma_wait3A_203 = tpu.memref_squeeze %dma_wait3A_202 : memref<1x4096xf32, #tpu.memory_space<hbm>> -> memref<4096xf32, #tpu.memory_space<hbm>>
        tpu.wait_dma2 semaphore(%arg27 : memref<!tpu.dma_semaphore, #tpu.memory_space<semaphore_mem>>) src(%dma_wait3A_203 : memref<4096xf32, #tpu.memory_space<hbm>>) dst(%arg18 : memref<4096xf32, #tpu.memory_space<vmem>>)
        %broadcast_in_dim3A = arith.constant 0 : i32
        %broadcast_in_dim3A_204 = vector.broadcast %broadcast_in_dim3A : i32 to vector<16xi32>
        %scan3A_205 = arith.constant 0 : i32
        %scan3A_206 = arith.constant 256 : i32
        %scan3A_207 = arith.addi %scan3A_205, %scan3A_206 : i32
        %scan3A_208 = arith.constant 1 : i32
        %scan3A_209 = scf.for %scan3A_246 = %scan3A_205 to %scan3A_207 step %scan3A_208 iter_args(%scan3A_247 = %broadcast_in_dim3A_204) -> (vector<16xi32>)  : i32 {
          %mul3A_248 = arith.constant 16 : i32
          %mul3A_249 = arith.muli %scan3A_246, %mul3A_248 : i32
          %get3A = arith.index_cast %mul3A_249 : i32 to index
          %get3A_250 = tpu.vector_load %arg17[%get3A] {strides = array<i32>} : memref<4096xi32, #tpu.memory_space<vmem>>, vector<16xi32>,
          %sub3A_251 = vector.broadcast %mul3A_0 : i32 to vector<16xi32>
          %sub3A_252 = arith.subi %get3A_250, %sub3A_251 : vector<16xi32>
          %get3A_253 = arith.index_cast %mul3A_249 : i32 to index
          %get3A_254 = tpu.vector_load %arg18[%get3A_253] {strides = array<i32>} : memref<4096xf32, #tpu.memory_space<vmem>>, vector<16xf32>,
          %ge3A = arith.constant 0 : i32
          %ge3A_255 = vector.broadcast %ge3A : i32 to vector<16xi32>
          %ge3A_256 = arith.cmpi sge, %sub3A_252, %ge3A_255 : vector<16xi32>
          %lt3A_257 = arith.constant 16384 : i32
          %lt3A_258 = vector.broadcast %lt3A_257 : i32 to vector<16xi32>
          %lt3A_259 = arith.cmpi slt, %sub3A_252, %lt3A_258 : vector<16xi32>
          %and3A_260 = arith.andi %ge3A_256, %lt3A_259 : vector<16xi1>
          %jit3A_261 = arith.constant 0 : i32
          %broadcast_in_dim3A_262 = vector.broadcast %jit3A_261 : i32 to vector<16xi32>
          %select_n3A_263 = arith.select %and3A_260, %sub3A_252, %broadcast_in_dim3A_262 : vector<16xi1>, vector<16xi32>
          %gather3A = tpu.vector_load_idx %arg12[%select_n3A_263] masked %and3A_260 : memref<16384xf32, #tpu.memory_space<vmem>>[vector<16xi32>], vector<16xf32>, vector<16xi1>
          %lt3A_264 = arith.cmpf olt, %get3A_254, %gather3A : vector<16xf32>
          %and3A_265 = arith.andi %and3A_260, %lt3A_264 : vector<16xi1>
          tpu.vector_store_idx %arg12[%select_n3A_263], %get3A_254 masked %and3A_265 : memref<16384xf32, #tpu.memory_space<vmem>>[vector<16xi32>], vector<16xf32>, vector<16xi1>
          %gather3A_266 = tpu.vector_load_idx %arg12[%select_n3A_263] masked %and3A_265 : memref<16384xf32, #tpu.memory_space<vmem>>[vector<16xi32>], vector<16xf32>, vector<16xi1>
          %lt3A_267 = arith.cmpf olt, %get3A_254, %gather3A_266 : vector<16xf32>
          %and3A_268 = arith.andi %and3A_265, %lt3A_267 : vector<16xi1>
          %convert_element_type3A_269 = arith.extui %and3A_268 : vector<16xi1> to vector<16xi32>
          %or3A = arith.ori %scan3A_247, %convert_element_type3A_269 : vector<16xi32>
          scf.yield %or3A : vector<16xi32>
        }
        %scan3A_210 = arith.constant 256 : i32
        %ne3A_211 = arith.constant 0 : i32
        %ne3A_212 = vector.broadcast %ne3A_211 : i32 to vector<16xi32>
        %ne3A_213 = arith.cmpi ne, %scan3A_209, %ne3A_212 : vector<16xi32>
        %all_reduce_population_count3A = tpu.all_reduce %ne3A_213 {dim = 0 : i64, kind = #tpu.reduction_kind<sum>} : vector<16xi1> -> vector<16xi32>
        %slice3A = vector.extract_strided_slice %all_reduce_population_count3A {offsets = [0], sizes = [1], strides = [1]} : vector<16xi32> to vector<1xi32>
        %squeeze3A = vector.extract %slice3A[0] : i32 from vector<1xi32>
        %gt3A = arith.constant 0 : i32
        %gt3A_214 = arith.cmpi sgt, %squeeze3A, %gt3A : i32
        %convert_element_type3A = arith.extui %gt3A_214 : i1 to i32
        %cond3A = arith.constant 0 : i32
        %cond3A_215 = arith.cmpi ne, %convert_element_type3A, %cond3A : i32
        scf.if %cond3A_215 {
          %scan3A_246 = arith.constant 0 : i32
          %scan3A_247 = arith.constant 256 : i32
          %scan3A_248 = arith.addi %scan3A_246, %scan3A_247 : i32
          %scan3A_249 = arith.constant 1 : i32
          scf.for %scan3A_251 = %scan3A_246 to %scan3A_248 step %scan3A_249  : i32 {
            %mul3A_252 = arith.constant 16 : i32
            %mul3A_253 = arith.muli %scan3A_251, %mul3A_252 : i32
            %add3A_254 = arith.constant 0 : i32
            %add3A_255 = arith.addi %add3A_254, %mul3A_253 : i32
            %get3A = arith.index_cast %add3A_255 : i32 to index
            %get3A_256 = tpu.vector_load %arg17[%get3A] {strides = array<i32>} : memref<4096xi32, #tpu.memory_space<vmem>>, vector<16xi32>,
            %sub3A_257 = vector.broadcast %mul3A_0 : i32 to vector<16xi32>
            %sub3A_258 = arith.subi %get3A_256, %sub3A_257 : vector<16xi32>
            %get3A_259 = arith.index_cast %add3A_255 : i32 to index
            %get3A_260 = tpu.vector_load %arg18[%get3A_259] {strides = array<i32>} : memref<4096xf32, #tpu.memory_space<vmem>>, vector<16xf32>,
            %ge3A = arith.constant 0 : i32
            %ge3A_261 = vector.broadcast %ge3A : i32 to vector<16xi32>
            %ge3A_262 = arith.cmpi sge, %sub3A_258, %ge3A_261 : vector<16xi32>
            %lt3A_263 = arith.constant 16384 : i32
            %lt3A_264 = vector.broadcast %lt3A_263 : i32 to vector<16xi32>
            %lt3A_265 = arith.cmpi slt, %sub3A_258, %lt3A_264 : vector<16xi32>
            %and3A_266 = arith.andi %ge3A_262, %lt3A_265 : vector<16xi1>
            %jit3A_267 = arith.constant 0 : i32
            %broadcast_in_dim3A_268 = vector.broadcast %jit3A_267 : i32 to vector<16xi32>
            %select_n3A_269 = arith.select %and3A_266, %sub3A_258, %broadcast_in_dim3A_268 : vector<16xi1>, vector<16xi32>
            %gather3A = tpu.vector_load_idx %arg12[%select_n3A_269] masked %and3A_266 : memref<16384xf32, #tpu.memory_space<vmem>>[vector<16xi32>], vector<16xf32>, vector<16xi1>
            %lt3A_270 = arith.cmpf olt, %get3A_260, %gather3A : vector<16xf32>
            %and3A_271 = arith.andi %and3A_266, %lt3A_270 : vector<16xi1>
            %while3A_272 = scf.while (%while3A_273 = %and3A_271) : (vector<16xi1>) -> vector<16xi1> {
              %all_reduce_population_count3A_274 = tpu.all_reduce %while3A_273 {dim = 0 : i64, kind = #tpu.reduction_kind<sum>} : vector<16xi1> -> vector<16xi32>
              %slice3A_275 = vector.extract_strided_slice %all_reduce_population_count3A_274 {offsets = [0], sizes = [1], strides = [1]} : vector<16xi32> to vector<1xi32>
              %squeeze3A_276 = vector.extract %slice3A_275[0] : i32 from vector<1xi32>
              %gt3A_277 = arith.constant 0 : i32
              %gt3A_278 = arith.cmpi sgt, %squeeze3A_276, %gt3A_277 : i32
              scf.condition(%gt3A_278) %while3A_273 : vector<16xi1>
            } do {
            ^bb0(%while3A_273: vector<16xi1>):
              tpu.vector_store_idx %arg12[%select_n3A_269], %get3A_260 masked %while3A_273 : memref<16384xf32, #tpu.memory_space<vmem>>[vector<16xi32>], vector<16xf32>, vector<16xi1>
              %gather3A_274 = tpu.vector_load_idx %arg12[%select_n3A_269] masked %while3A_273 : memref<16384xf32, #tpu.memory_space<vmem>>[vector<16xi32>], vector<16xf32>, vector<16xi1>
              %lt3A_275 = arith.cmpf olt, %get3A_260, %gather3A_274 : vector<16xf32>
              %and3A_276 = arith.andi %while3A_273, %lt3A_275 : vector<16xi1>
              scf.yield %and3A_276 : vector<16xi1>
            }
          }
          %scan3A_250 = arith.constant 256 : i32
        } else {
        }
        %lt3A = arith.cmpi slt, %add3A_187, %mul3A_14 : i32
        %convert_element_type3A_216 = arith.extui %lt3A : i1 to i32
        %cond3A_217 = arith.constant 0 : i32
        %cond3A_218 = arith.cmpi ne, %convert_element_type3A_216, %cond3A_217 : i32
        scf.if %cond3A_218 {
          %dma_start3A_246 = tpu.memref_slice %arg2[%add3A_26, %add3A_187] : memref<8x262144xi32, #tpu.memory_space<hbm>> -> memref<1x4096xi32, #tpu.memory_space<hbm>>
          %dma_start3A_247 = tpu.memref_squeeze %dma_start3A_246 : memref<1x4096xi32, #tpu.memory_space<hbm>> -> memref<4096xi32, #tpu.memory_space<hbm>>
          %dma_start3A_248 = tpu.memref_slice %arg2[%add3A_26, %add3A_187] : memref<8x262144xi32, #tpu.memory_space<hbm>> -> memref<1x4096xi32, #tpu.memory_space<hbm>>
          %dma_start3A_249 = tpu.memref_squeeze %dma_start3A_248 : memref<1x4096xi32, #tpu.memory_space<hbm>> -> memref<4096xi32, #tpu.memory_space<hbm>>
          tpu.enqueue_dma source(%dma_start3A_249 : memref<4096xi32, #tpu.memory_space<hbm>>) target(%arg17 : memref<4096xi32, #tpu.memory_space<vmem>>) target_semaphore(%arg27 : memref<!tpu.dma_semaphore, #tpu.memory_space<semaphore_mem>>)
          %dma_start3A_250 = tpu.memref_slice %arg3[%add3A_26, %add3A_187] : memref<8x262144xf32, #tpu.memory_space<hbm>> -> memref<1x4096xf32, #tpu.memory_space<hbm>>
          %dma_start3A_251 = tpu.memref_squeeze %dma_start3A_250 : memref<1x4096xf32, #tpu.memory_space<hbm>> -> memref<4096xf32, #tpu.memory_space<hbm>>
          %dma_start3A_252 = tpu.memref_slice %arg3[%add3A_26, %add3A_187] : memref<8x262144xf32, #tpu.memory_space<hbm>> -> memref<1x4096xf32, #tpu.memory_space<hbm>>
          %dma_start3A_253 = tpu.memref_squeeze %dma_start3A_252 : memref<1x4096xf32, #tpu.memory_space<hbm>> -> memref<4096xf32, #tpu.memory_space<hbm>>
          tpu.enqueue_dma source(%dma_start3A_253 : memref<4096xf32, #tpu.memory_space<hbm>>) target(%arg18 : memref<4096xf32, #tpu.memory_space<vmem>>) target_semaphore(%arg27 : memref<!tpu.dma_semaphore, #tpu.memory_space<semaphore_mem>>)
        } else {
        }
        %dma_wait3A_219 = tpu.memref_slice %arg2[%add3A_26, %add3A_185] : memref<8x262144xi32, #tpu.memory_space<hbm>> -> memref<1x4096xi32, #tpu.memory_space<hbm>>
        %dma_wait3A_220 = tpu.memref_squeeze %dma_wait3A_219 : memref<1x4096xi32, #tpu.memory_space<hbm>> -> memref<4096xi32, #tpu.memory_space<hbm>>
        %dma_wait3A_221 = tpu.memref_slice %arg2[%add3A_26, %add3A_185] : memref<8x262144xi32, #tpu.memory_space<hbm>> -> memref<1x4096xi32, #tpu.memory_space<hbm>>
        %dma_wait3A_222 = tpu.memref_squeeze %dma_wait3A_221 : memref<1x4096xi32, #tpu.memory_space<hbm>> -> memref<4096xi32, #tpu.memory_space<hbm>>
        tpu.wait_dma2 semaphore(%arg28 : memref<!tpu.dma_semaphore, #tpu.memory_space<semaphore_mem>>) src(%dma_wait3A_222 : memref<4096xi32, #tpu.memory_space<hbm>>) dst(%arg22 : memref<4096xi32, #tpu.memory_space<vmem>>)
        %dma_wait3A_223 = tpu.memref_slice %arg3[%add3A_26, %add3A_185] : memref<8x262144xf32, #tpu.memory_space<hbm>> -> memref<1x4096xf32, #tpu.memory_space<hbm>>
        %dma_wait3A_224 = tpu.memref_squeeze %dma_wait3A_223 : memref<1x4096xf32, #tpu.memory_space<hbm>> -> memref<4096xf32, #tpu.memory_space<hbm>>
        %dma_wait3A_225 = tpu.memref_slice %arg3[%add3A_26, %add3A_185] : memref<8x262144xf32, #tpu.memory_space<hbm>> -> memref<1x4096xf32, #tpu.memory_space<hbm>>
        %dma_wait3A_226 = tpu.memref_squeeze %dma_wait3A_225 : memref<1x4096xf32, #tpu.memory_space<hbm>> -> memref<4096xf32, #tpu.memory_space<hbm>>
        tpu.wait_dma2 semaphore(%arg28 : memref<!tpu.dma_semaphore, #tpu.memory_space<semaphore_mem>>) src(%dma_wait3A_226 : memref<4096xf32, #tpu.memory_space<hbm>>) dst(%arg23 : memref<4096xf32, #tpu.memory_space<vmem>>)
        %broadcast_in_dim3A_227 = arith.constant 0 : i32
        %broadcast_in_dim3A_228 = vector.broadcast %broadcast_in_dim3A_227 : i32 to vector<16xi32>
        %scan3A_229 = arith.constant 0 : i32
        %scan3A_230 = arith.constant 256 : i32
        %scan3A_231 = arith.addi %scan3A_229, %scan3A_230 : i32
        %scan3A_232 = arith.constant 1 : i32
        %scan3A_233 = scf.for %scan3A_246 = %scan3A_229 to %scan3A_231 step %scan3A_232 iter_args(%scan3A_247 = %broadcast_in_dim3A_228) -> (vector<16xi32>)  : i32 {
          %mul3A_248 = arith.constant 16 : i32
          %mul3A_249 = arith.muli %scan3A_246, %mul3A_248 : i32
          %get3A = arith.index_cast %mul3A_249 : i32 to index
          %get3A_250 = tpu.vector_load %arg22[%get3A] {strides = array<i32>} : memref<4096xi32, #tpu.memory_space<vmem>>, vector<16xi32>,
          %sub3A_251 = vector.broadcast %mul3A_0 : i32 to vector<16xi32>
          %sub3A_252 = arith.subi %get3A_250, %sub3A_251 : vector<16xi32>
          %get3A_253 = arith.index_cast %mul3A_249 : i32 to index
          %get3A_254 = tpu.vector_load %arg23[%get3A_253] {strides = array<i32>} : memref<4096xf32, #tpu.memory_space<vmem>>, vector<16xf32>,
          %ge3A = arith.constant 0 : i32
          %ge3A_255 = vector.broadcast %ge3A : i32 to vector<16xi32>
          %ge3A_256 = arith.cmpi sge, %sub3A_252, %ge3A_255 : vector<16xi32>
          %lt3A_257 = arith.constant 16384 : i32
          %lt3A_258 = vector.broadcast %lt3A_257 : i32 to vector<16xi32>
          %lt3A_259 = arith.cmpi slt, %sub3A_252, %lt3A_258 : vector<16xi32>
          %and3A_260 = arith.andi %ge3A_256, %lt3A_259 : vector<16xi1>
          %jit3A_261 = arith.constant 0 : i32
          %broadcast_in_dim3A_262 = vector.broadcast %jit3A_261 : i32 to vector<16xi32>
          %select_n3A_263 = arith.select %and3A_260, %sub3A_252, %broadcast_in_dim3A_262 : vector<16xi1>, vector<16xi32>
          %gather3A = tpu.vector_load_idx %arg12[%select_n3A_263] masked %and3A_260 : memref<16384xf32, #tpu.memory_space<vmem>>[vector<16xi32>], vector<16xf32>, vector<16xi1>
          %lt3A_264 = arith.cmpf olt, %get3A_254, %gather3A : vector<16xf32>
          %and3A_265 = arith.andi %and3A_260, %lt3A_264 : vector<16xi1>
          tpu.vector_store_idx %arg12[%select_n3A_263], %get3A_254 masked %and3A_265 : memref<16384xf32, #tpu.memory_space<vmem>>[vector<16xi32>], vector<16xf32>, vector<16xi1>
          %gather3A_266 = tpu.vector_load_idx %arg12[%select_n3A_263] masked %and3A_265 : memref<16384xf32, #tpu.memory_space<vmem>>[vector<16xi32>], vector<16xf32>, vector<16xi1>
          %lt3A_267 = arith.cmpf olt, %get3A_254, %gather3A_266 : vector<16xf32>
          %and3A_268 = arith.andi %and3A_265, %lt3A_267 : vector<16xi1>
          %convert_element_type3A_269 = arith.extui %and3A_268 : vector<16xi1> to vector<16xi32>
          %or3A = arith.ori %scan3A_247, %convert_element_type3A_269 : vector<16xi32>
          scf.yield %or3A : vector<16xi32>
        }
        %scan3A_234 = arith.constant 256 : i32
        %ne3A_235 = arith.constant 0 : i32
        %ne3A_236 = vector.broadcast %ne3A_235 : i32 to vector<16xi32>
        %ne3A_237 = arith.cmpi ne, %scan3A_233, %ne3A_236 : vector<16xi32>
        %all_reduce_population_count3A_238 = tpu.all_reduce %ne3A_237 {dim = 0 : i64, kind = #tpu.reduction_kind<sum>} : vector<16xi1> -> vector<16xi32>
        %slice3A_239 = vector.extract_strided_slice %all_reduce_population_count3A_238 {offsets = [0], sizes = [1], strides = [1]} : vector<16xi32> to vector<1xi32>
        %squeeze3A_240 = vector.extract %slice3A_239[0] : i32 from vector<1xi32>
        %gt3A_241 = arith.constant 0 : i32
        %gt3A_242 = arith.cmpi sgt, %squeeze3A_240, %gt3A_241 : i32
        %convert_element_type3A_243 = arith.extui %gt3A_242 : i1 to i32
        %cond3A_244 = arith.constant 0 : i32
        %cond3A_245 = arith.cmpi ne, %convert_element_type3A_243, %cond3A_244 : i32
        scf.if %cond3A_245 {
          %scan3A_246 = arith.constant 0 : i32
          %scan3A_247 = arith.constant 256 : i32
          %scan3A_248 = arith.addi %scan3A_246, %scan3A_247 : i32
          %scan3A_249 = arith.constant 1 : i32
          scf.for %scan3A_251 = %scan3A_246 to %scan3A_248 step %scan3A_249  : i32 {
            %mul3A_252 = arith.constant 16 : i32
            %mul3A_253 = arith.muli %scan3A_251, %mul3A_252 : i32
            %add3A_254 = arith.constant 0 : i32
            %add3A_255 = arith.addi %add3A_254, %mul3A_253 : i32
            %get3A = arith.index_cast %add3A_255 : i32 to index
            %get3A_256 = tpu.vector_load %arg22[%get3A] {strides = array<i32>} : memref<4096xi32, #tpu.memory_space<vmem>>, vector<16xi32>,
            %sub3A_257 = vector.broadcast %mul3A_0 : i32 to vector<16xi32>
            %sub3A_258 = arith.subi %get3A_256, %sub3A_257 : vector<16xi32>
            %get3A_259 = arith.index_cast %add3A_255 : i32 to index
            %get3A_260 = tpu.vector_load %arg23[%get3A_259] {strides = array<i32>} : memref<4096xf32, #tpu.memory_space<vmem>>, vector<16xf32>,
            %ge3A = arith.constant 0 : i32
            %ge3A_261 = vector.broadcast %ge3A : i32 to vector<16xi32>
            %ge3A_262 = arith.cmpi sge, %sub3A_258, %ge3A_261 : vector<16xi32>
            %lt3A_263 = arith.constant 16384 : i32
            %lt3A_264 = vector.broadcast %lt3A_263 : i32 to vector<16xi32>
            %lt3A_265 = arith.cmpi slt, %sub3A_258, %lt3A_264 : vector<16xi32>
            %and3A_266 = arith.andi %ge3A_262, %lt3A_265 : vector<16xi1>
            %jit3A_267 = arith.constant 0 : i32
            %broadcast_in_dim3A_268 = vector.broadcast %jit3A_267 : i32 to vector<16xi32>
            %select_n3A_269 = arith.select %and3A_266, %sub3A_258, %broadcast_in_dim3A_268 : vector<16xi1>, vector<16xi32>
            %gather3A = tpu.vector_load_idx %arg12[%select_n3A_269] masked %and3A_266 : memref<16384xf32, #tpu.memory_space<vmem>>[vector<16xi32>], vector<16xf32>, vector<16xi1>
            %lt3A_270 = arith.cmpf olt, %get3A_260, %gather3A : vector<16xf32>
            %and3A_271 = arith.andi %and3A_266, %lt3A_270 : vector<16xi1>
            %while3A_272 = scf.while (%while3A_273 = %and3A_271) : (vector<16xi1>) -> vector<16xi1> {
              %all_reduce_population_count3A_274 = tpu.all_reduce %while3A_273 {dim = 0 : i64, kind = #tpu.reduction_kind<sum>} : vector<16xi1> -> vector<16xi32>
              %slice3A_275 = vector.extract_strided_slice %all_reduce_population_count3A_274 {offsets = [0], sizes = [1], strides = [1]} : vector<16xi32> to vector<1xi32>
              %squeeze3A_276 = vector.extract %slice3A_275[0] : i32 from vector<1xi32>
              %gt3A_277 = arith.constant 0 : i32
              %gt3A_278 = arith.cmpi sgt, %squeeze3A_276, %gt3A_277 : i32
              scf.condition(%gt3A_278) %while3A_273 : vector<16xi1>
            } do {
            ^bb0(%while3A_273: vector<16xi1>):
              tpu.vector_store_idx %arg12[%select_n3A_269], %get3A_260 masked %while3A_273 : memref<16384xf32, #tpu.memory_space<vmem>>[vector<16xi32>], vector<16xf32>, vector<16xi1>
              %gather3A_274 = tpu.vector_load_idx %arg12[%select_n3A_269] masked %while3A_273 : memref<16384xf32, #tpu.memory_space<vmem>>[vector<16xi32>], vector<16xf32>, vector<16xi1>
              %lt3A_275 = arith.cmpf olt, %get3A_260, %gather3A_274 : vector<16xf32>
              %and3A_276 = arith.andi %while3A_273, %lt3A_275 : vector<16xi1>
              scf.yield %and3A_276 : vector<16xi1>
            }
          }
          %scan3A_250 = arith.constant 256 : i32
        } else {
        }
      }
      %while3A_74 = arith.constant 1 : i32
      scf.for %while3A_178 = %while3A_72 to %while3A_68 step %while3A_74  : i32 {
        %mul3A_179 = arith.muli %while3A_178, %while3A : i32
        %add3A_180 = arith.addi %while3A_65, %mul3A_179 : i32
        %mul3A_181 = arith.constant 8192 : i32
        %mul3A_182 = arith.muli %add3A_180, %mul3A_181 : i32
        %add3A_183 = arith.addi %mul3A_6, %mul3A_182 : i32
        %add3A_184 = arith.constant 4096 : i32
        %add3A_185 = arith.addi %add3A_183, %add3A_184 : i32
        %add3A_186 = arith.constant 8192 : i32
        %add3A_187 = arith.addi %add3A_183, %add3A_186 : i32
        %dma_start3A_188 = tpu.memref_slice %arg2[%add3A_26, %add3A_185] : memref<8x262144xi32, #tpu.memory_space<hbm>> -> memref<1x4096xi32, #tpu.memory_space<hbm>>
        %dma_start3A_189 = tpu.memref_squeeze %dma_start3A_188 : memref<1x4096xi32, #tpu.memory_space<hbm>> -> memref<4096xi32, #tpu.memory_space<hbm>>
        %dma_start3A_190 = tpu.memref_slice %arg2[%add3A_26, %add3A_185] : memref<8x262144xi32, #tpu.memory_space<hbm>> -> memref<1x4096xi32, #tpu.memory_space<hbm>>
        %dma_start3A_191 = tpu.memref_squeeze %dma_start3A_190 : memref<1x4096xi32, #tpu.memory_space<hbm>> -> memref<4096xi32, #tpu.memory_space<hbm>>
        tpu.enqueue_dma source(%dma_start3A_191 : memref<4096xi32, #tpu.memory_space<hbm>>) target(%arg22 : memref<4096xi32, #tpu.memory_space<vmem>>) target_semaphore(%arg28 : memref<!tpu.dma_semaphore, #tpu.memory_space<semaphore_mem>>)
        %dma_start3A_192 = tpu.memref_slice %arg3[%add3A_26, %add3A_185] : memref<8x262144xf32, #tpu.memory_space<hbm>> -> memref<1x4096xf32, #tpu.memory_space<hbm>>
        %dma_start3A_193 = tpu.memref_squeeze %dma_start3A_192 : memref<1x4096xf32, #tpu.memory_space<hbm>> -> memref<4096xf32, #tpu.memory_space<hbm>>
        %dma_start3A_194 = tpu.memref_slice %arg3[%add3A_26, %add3A_185] : memref<8x262144xf32, #tpu.memory_space<hbm>> -> memref<1x4096xf32, #tpu.memory_space<hbm>>
        %dma_start3A_195 = tpu.memref_squeeze %dma_start3A_194 : memref<1x4096xf32, #tpu.memory_space<hbm>> -> memref<4096xf32, #tpu.memory_space<hbm>>
        tpu.enqueue_dma source(%dma_start3A_195 : memref<4096xf32, #tpu.memory_space<hbm>>) target(%arg23 : memref<4096xf32, #tpu.memory_space<vmem>>) target_semaphore(%arg28 : memref<!tpu.dma_semaphore, #tpu.memory_space<semaphore_mem>>)
        %dma_wait3A_196 = tpu.memref_slice %arg2[%add3A_26, %add3A_183] : memref<8x262144xi32, #tpu.memory_space<hbm>> -> memref<1x4096xi32, #tpu.memory_space<hbm>>
        %dma_wait3A_197 = tpu.memref_squeeze %dma_wait3A_196 : memref<1x4096xi32, #tpu.memory_space<hbm>> -> memref<4096xi32, #tpu.memory_space<hbm>>
        %dma_wait3A_198 = tpu.memref_slice %arg2[%add3A_26, %add3A_183] : memref<8x262144xi32, #tpu.memory_space<hbm>> -> memref<1x4096xi32, #tpu.memory_space<hbm>>
        %dma_wait3A_199 = tpu.memref_squeeze %dma_wait3A_198 : memref<1x4096xi32, #tpu.memory_space<hbm>> -> memref<4096xi32, #tpu.memory_space<hbm>>
        tpu.wait_dma2 semaphore(%arg27 : memref<!tpu.dma_semaphore, #tpu.memory_space<semaphore_mem>>) src(%dma_wait3A_199 : memref<4096xi32, #tpu.memory_space<hbm>>) dst(%arg17 : memref<4096xi32, #tpu.memory_space<vmem>>)
        %dma_wait3A_200 = tpu.memref_slice %arg3[%add3A_26, %add3A_183] : memref<8x262144xf32, #tpu.memory_space<hbm>> -> memref<1x4096xf32, #tpu.memory_space<hbm>>
        %dma_wait3A_201 = tpu.memref_squeeze %dma_wait3A_200 : memref<1x4096xf32, #tpu.memory_space<hbm>> -> memref<4096xf32, #tpu.memory_space<hbm>>
        %dma_wait3A_202 = tpu.memref_slice %arg3[%add3A_26, %add3A_183] : memref<8x262144xf32, #tpu.memory_space<hbm>> -> memref<1x4096xf32, #tpu.memory_space<hbm>>
        %dma_wait3A_203 = tpu.memref_squeeze %dma_wait3A_202 : memref<1x4096xf32, #tpu.memory_space<hbm>> -> memref<4096xf32, #tpu.memory_space<hbm>>
        tpu.wait_dma2 semaphore(%arg27 : memref<!tpu.dma_semaphore, #tpu.memory_space<semaphore_mem>>) src(%dma_wait3A_203 : memref<4096xf32, #tpu.memory_space<hbm>>) dst(%arg18 : memref<4096xf32, #tpu.memory_space<vmem>>)
        %broadcast_in_dim3A = arith.constant 0 : i32
        %broadcast_in_dim3A_204 = vector.broadcast %broadcast_in_dim3A : i32 to vector<16xi32>
        %scan3A_205 = arith.constant 0 : i32
        %scan3A_206 = arith.constant 256 : i32
        %scan3A_207 = arith.addi %scan3A_205, %scan3A_206 : i32
        %scan3A_208 = arith.constant 1 : i32
        %scan3A_209 = scf.for %scan3A_246 = %scan3A_205 to %scan3A_207 step %scan3A_208 iter_args(%scan3A_247 = %broadcast_in_dim3A_204) -> (vector<16xi32>)  : i32 {
          %mul3A_248 = arith.constant 16 : i32
          %mul3A_249 = arith.muli %scan3A_246, %mul3A_248 : i32
          %get3A = arith.index_cast %mul3A_249 : i32 to index
          %get3A_250 = tpu.vector_load %arg17[%get3A] {strides = array<i32>} : memref<4096xi32, #tpu.memory_space<vmem>>, vector<16xi32>,
          %sub3A_251 = vector.broadcast %mul3A_0 : i32 to vector<16xi32>
          %sub3A_252 = arith.subi %get3A_250, %sub3A_251 : vector<16xi32>
          %get3A_253 = arith.index_cast %mul3A_249 : i32 to index
          %get3A_254 = tpu.vector_load %arg18[%get3A_253] {strides = array<i32>} : memref<4096xf32, #tpu.memory_space<vmem>>, vector<16xf32>,
          %ge3A = arith.constant 0 : i32
          %ge3A_255 = vector.broadcast %ge3A : i32 to vector<16xi32>
          %ge3A_256 = arith.cmpi sge, %sub3A_252, %ge3A_255 : vector<16xi32>
          %lt3A_257 = arith.constant 16384 : i32
          %lt3A_258 = vector.broadcast %lt3A_257 : i32 to vector<16xi32>
          %lt3A_259 = arith.cmpi slt, %sub3A_252, %lt3A_258 : vector<16xi32>
          %and3A_260 = arith.andi %ge3A_256, %lt3A_259 : vector<16xi1>
          %jit3A_261 = arith.constant 0 : i32
          %broadcast_in_dim3A_262 = vector.broadcast %jit3A_261 : i32 to vector<16xi32>
          %select_n3A_263 = arith.select %and3A_260, %sub3A_252, %broadcast_in_dim3A_262 : vector<16xi1>, vector<16xi32>
          %gather3A = tpu.vector_load_idx %arg12[%select_n3A_263] masked %and3A_260 : memref<16384xf32, #tpu.memory_space<vmem>>[vector<16xi32>], vector<16xf32>, vector<16xi1>
          %lt3A_264 = arith.cmpf olt, %get3A_254, %gather3A : vector<16xf32>
          %and3A_265 = arith.andi %and3A_260, %lt3A_264 : vector<16xi1>
          tpu.vector_store_idx %arg12[%select_n3A_263], %get3A_254 masked %and3A_265 : memref<16384xf32, #tpu.memory_space<vmem>>[vector<16xi32>], vector<16xf32>, vector<16xi1>
          %gather3A_266 = tpu.vector_load_idx %arg12[%select_n3A_263] masked %and3A_265 : memref<16384xf32, #tpu.memory_space<vmem>>[vector<16xi32>], vector<16xf32>, vector<16xi1>
          %lt3A_267 = arith.cmpf olt, %get3A_254, %gather3A_266 : vector<16xf32>
          %and3A_268 = arith.andi %and3A_265, %lt3A_267 : vector<16xi1>
          %convert_element_type3A_269 = arith.extui %and3A_268 : vector<16xi1> to vector<16xi32>
          %or3A = arith.ori %scan3A_247, %convert_element_type3A_269 : vector<16xi32>
          scf.yield %or3A : vector<16xi32>
        }
        %scan3A_210 = arith.constant 256 : i32
        %ne3A_211 = arith.constant 0 : i32
        %ne3A_212 = vector.broadcast %ne3A_211 : i32 to vector<16xi32>
        %ne3A_213 = arith.cmpi ne, %scan3A_209, %ne3A_212 : vector<16xi32>
        %all_reduce_population_count3A = tpu.all_reduce %ne3A_213 {dim = 0 : i64, kind = #tpu.reduction_kind<sum>} : vector<16xi1> -> vector<16xi32>
        %slice3A = vector.extract_strided_slice %all_reduce_population_count3A {offsets = [0], sizes = [1], strides = [1]} : vector<16xi32> to vector<1xi32>
        %squeeze3A = vector.extract %slice3A[0] : i32 from vector<1xi32>
        %gt3A = arith.constant 0 : i32
        %gt3A_214 = arith.cmpi sgt, %squeeze3A, %gt3A : i32
        %convert_element_type3A = arith.extui %gt3A_214 : i1 to i32
        %cond3A = arith.constant 0 : i32
        %cond3A_215 = arith.cmpi ne, %convert_element_type3A, %cond3A : i32
        scf.if %cond3A_215 {
          %scan3A_246 = arith.constant 0 : i32
          %scan3A_247 = arith.constant 256 : i32
          %scan3A_248 = arith.addi %scan3A_246, %scan3A_247 : i32
          %scan3A_249 = arith.constant 1 : i32
          scf.for %scan3A_251 = %scan3A_246 to %scan3A_248 step %scan3A_249  : i32 {
            %mul3A_252 = arith.constant 16 : i32
            %mul3A_253 = arith.muli %scan3A_251, %mul3A_252 : i32
            %add3A_254 = arith.constant 0 : i32
            %add3A_255 = arith.addi %add3A_254, %mul3A_253 : i32
            %get3A = arith.index_cast %add3A_255 : i32 to index
            %get3A_256 = tpu.vector_load %arg17[%get3A] {strides = array<i32>} : memref<4096xi32, #tpu.memory_space<vmem>>, vector<16xi32>,
            %sub3A_257 = vector.broadcast %mul3A_0 : i32 to vector<16xi32>
            %sub3A_258 = arith.subi %get3A_256, %sub3A_257 : vector<16xi32>
            %get3A_259 = arith.index_cast %add3A_255 : i32 to index
            %get3A_260 = tpu.vector_load %arg18[%get3A_259] {strides = array<i32>} : memref<4096xf32, #tpu.memory_space<vmem>>, vector<16xf32>,
            %ge3A = arith.constant 0 : i32
            %ge3A_261 = vector.broadcast %ge3A : i32 to vector<16xi32>
            %ge3A_262 = arith.cmpi sge, %sub3A_258, %ge3A_261 : vector<16xi32>
            %lt3A_263 = arith.constant 16384 : i32
            %lt3A_264 = vector.broadcast %lt3A_263 : i32 to vector<16xi32>
            %lt3A_265 = arith.cmpi slt, %sub3A_258, %lt3A_264 : vector<16xi32>
            %and3A_266 = arith.andi %ge3A_262, %lt3A_265 : vector<16xi1>
            %jit3A_267 = arith.constant 0 : i32
            %broadcast_in_dim3A_268 = vector.broadcast %jit3A_267 : i32 to vector<16xi32>
            %select_n3A_269 = arith.select %and3A_266, %sub3A_258, %broadcast_in_dim3A_268 : vector<16xi1>, vector<16xi32>
            %gather3A = tpu.vector_load_idx %arg12[%select_n3A_269] masked %and3A_266 : memref<16384xf32, #tpu.memory_space<vmem>>[vector<16xi32>], vector<16xf32>, vector<16xi1>
            %lt3A_270 = arith.cmpf olt, %get3A_260, %gather3A : vector<16xf32>
            %and3A_271 = arith.andi %and3A_266, %lt3A_270 : vector<16xi1>
            %while3A_272 = scf.while (%while3A_273 = %and3A_271) : (vector<16xi1>) -> vector<16xi1> {
              %all_reduce_population_count3A_274 = tpu.all_reduce %while3A_273 {dim = 0 : i64, kind = #tpu.reduction_kind<sum>} : vector<16xi1> -> vector<16xi32>
              %slice3A_275 = vector.extract_strided_slice %all_reduce_population_count3A_274 {offsets = [0], sizes = [1], strides = [1]} : vector<16xi32> to vector<1xi32>
              %squeeze3A_276 = vector.extract %slice3A_275[0] : i32 from vector<1xi32>
              %gt3A_277 = arith.constant 0 : i32
              %gt3A_278 = arith.cmpi sgt, %squeeze3A_276, %gt3A_277 : i32
              scf.condition(%gt3A_278) %while3A_273 : vector<16xi1>
            } do {
            ^bb0(%while3A_273: vector<16xi1>):
              tpu.vector_store_idx %arg12[%select_n3A_269], %get3A_260 masked %while3A_273 : memref<16384xf32, #tpu.memory_space<vmem>>[vector<16xi32>], vector<16xf32>, vector<16xi1>
              %gather3A_274 = tpu.vector_load_idx %arg12[%select_n3A_269] masked %while3A_273 : memref<16384xf32, #tpu.memory_space<vmem>>[vector<16xi32>], vector<16xf32>, vector<16xi1>
              %lt3A_275 = arith.cmpf olt, %get3A_260, %gather3A_274 : vector<16xf32>
              %and3A_276 = arith.andi %while3A_273, %lt3A_275 : vector<16xi1>
              scf.yield %and3A_276 : vector<16xi1>
            }
          }
          %scan3A_250 = arith.constant 256 : i32
        } else {
        }
        %lt3A = arith.cmpi slt, %add3A_187, %mul3A_14 : i32
        %convert_element_type3A_216 = arith.extui %lt3A : i1 to i32
        %cond3A_217 = arith.constant 0 : i32
        %cond3A_218 = arith.cmpi ne, %convert_element_type3A_216, %cond3A_217 : i32
        scf.if %cond3A_218 {
          %dma_start3A_246 = tpu.memref_slice %arg2[%add3A_26, %add3A_187] : memref<8x262144xi32, #tpu.memory_space<hbm>> -> memref<1x4096xi32, #tpu.memory_space<hbm>>
          %dma_start3A_247 = tpu.memref_squeeze %dma_start3A_246 : memref<1x4096xi32, #tpu.memory_space<hbm>> -> memref<4096xi32, #tpu.memory_space<hbm>>
          %dma_start3A_248 = tpu.memref_slice %arg2[%add3A_26, %add3A_187] : memref<8x262144xi32, #tpu.memory_space<hbm>> -> memref<1x4096xi32, #tpu.memory_space<hbm>>
          %dma_start3A_249 = tpu.memref_squeeze %dma_start3A_248 : memref<1x4096xi32, #tpu.memory_space<hbm>> -> memref<4096xi32, #tpu.memory_space<hbm>>
          tpu.enqueue_dma source(%dma_start3A_249 : memref<4096xi32, #tpu.memory_space<hbm>>) target(%arg17 : memref<4096xi32, #tpu.memory_space<vmem>>) target_semaphore(%arg27 : memref<!tpu.dma_semaphore, #tpu.memory_space<semaphore_mem>>)
          %dma_start3A_250 = tpu.memref_slice %arg3[%add3A_26, %add3A_187] : memref<8x262144xf32, #tpu.memory_space<hbm>> -> memref<1x4096xf32, #tpu.memory_space<hbm>>
          %dma_start3A_251 = tpu.memref_squeeze %dma_start3A_250 : memref<1x4096xf32, #tpu.memory_space<hbm>> -> memref<4096xf32, #tpu.memory_space<hbm>>
          %dma_start3A_252 = tpu.memref_slice %arg3[%add3A_26, %add3A_187] : memref<8x262144xf32, #tpu.memory_space<hbm>> -> memref<1x4096xf32, #tpu.memory_space<hbm>>
          %dma_start3A_253 = tpu.memref_squeeze %dma_start3A_252 : memref<1x4096xf32, #tpu.memory_space<hbm>> -> memref<4096xf32, #tpu.memory_space<hbm>>
          tpu.enqueue_dma source(%dma_start3A_253 : memref<4096xf32, #tpu.memory_space<hbm>>) target(%arg18 : memref<4096xf32, #tpu.memory_space<vmem>>) target_semaphore(%arg27 : memref<!tpu.dma_semaphore, #tpu.memory_space<semaphore_mem>>)
        } else {
        }
        %dma_wait3A_219 = tpu.memref_slice %arg2[%add3A_26, %add3A_185] : memref<8x262144xi32, #tpu.memory_space<hbm>> -> memref<1x4096xi32, #tpu.memory_space<hbm>>
        %dma_wait3A_220 = tpu.memref_squeeze %dma_wait3A_219 : memref<1x4096xi32, #tpu.memory_space<hbm>> -> memref<4096xi32, #tpu.memory_space<hbm>>
        %dma_wait3A_221 = tpu.memref_slice %arg2[%add3A_26, %add3A_185] : memref<8x262144xi32, #tpu.memory_space<hbm>> -> memref<1x4096xi32, #tpu.memory_space<hbm>>
        %dma_wait3A_222 = tpu.memref_squeeze %dma_wait3A_221 : memref<1x4096xi32, #tpu.memory_space<hbm>> -> memref<4096xi32, #tpu.memory_space<hbm>>
        tpu.wait_dma2 semaphore(%arg28 : memref<!tpu.dma_semaphore, #tpu.memory_space<semaphore_mem>>) src(%dma_wait3A_222 : memref<4096xi32, #tpu.memory_space<hbm>>) dst(%arg22 : memref<4096xi32, #tpu.memory_space<vmem>>)
        %dma_wait3A_223 = tpu.memref_slice %arg3[%add3A_26, %add3A_185] : memref<8x262144xf32, #tpu.memory_space<hbm>> -> memref<1x4096xf32, #tpu.memory_space<hbm>>
        %dma_wait3A_224 = tpu.memref_squeeze %dma_wait3A_223 : memref<1x4096xf32, #tpu.memory_space<hbm>> -> memref<4096xf32, #tpu.memory_space<hbm>>
        %dma_wait3A_225 = tpu.memref_slice %arg3[%add3A_26, %add3A_185] : memref<8x262144xf32, #tpu.memory_space<hbm>> -> memref<1x4096xf32, #tpu.memory_space<hbm>>
        %dma_wait3A_226 = tpu.memref_squeeze %dma_wait3A_225 : memref<1x4096xf32, #tpu.memory_space<hbm>> -> memref<4096xf32, #tpu.memory_space<hbm>>
        tpu.wait_dma2 semaphore(%arg28 : memref<!tpu.dma_semaphore, #tpu.memory_space<semaphore_mem>>) src(%dma_wait3A_226 : memref<4096xf32, #tpu.memory_space<hbm>>) dst(%arg23 : memref<4096xf32, #tpu.memory_space<vmem>>)
        %broadcast_in_dim3A_227 = arith.constant 0 : i32
        %broadcast_in_dim3A_228 = vector.broadcast %broadcast_in_dim3A_227 : i32 to vector<16xi32>
        %scan3A_229 = arith.constant 0 : i32
        %scan3A_230 = arith.constant 256 : i32
        %scan3A_231 = arith.addi %scan3A_229, %scan3A_230 : i32
        %scan3A_232 = arith.constant 1 : i32
        %scan3A_233 = scf.for %scan3A_246 = %scan3A_229 to %scan3A_231 step %scan3A_232 iter_args(%scan3A_247 = %broadcast_in_dim3A_228) -> (vector<16xi32>)  : i32 {
          %mul3A_248 = arith.constant 16 : i32
          %mul3A_249 = arith.muli %scan3A_246, %mul3A_248 : i32
          %get3A = arith.index_cast %mul3A_249 : i32 to index
          %get3A_250 = tpu.vector_load %arg22[%get3A] {strides = array<i32>} : memref<4096xi32, #tpu.memory_space<vmem>>, vector<16xi32>,
          %sub3A_251 = vector.broadcast %mul3A_0 : i32 to vector<16xi32>
          %sub3A_252 = arith.subi %get3A_250, %sub3A_251 : vector<16xi32>
          %get3A_253 = arith.index_cast %mul3A_249 : i32 to index
          %get3A_254 = tpu.vector_load %arg23[%get3A_253] {strides = array<i32>} : memref<4096xf32, #tpu.memory_space<vmem>>, vector<16xf32>,
          %ge3A = arith.constant 0 : i32
          %ge3A_255 = vector.broadcast %ge3A : i32 to vector<16xi32>
          %ge3A_256 = arith.cmpi sge, %sub3A_252, %ge3A_255 : vector<16xi32>
          %lt3A_257 = arith.constant 16384 : i32
          %lt3A_258 = vector.broadcast %lt3A_257 : i32 to vector<16xi32>
          %lt3A_259 = arith.cmpi slt, %sub3A_252, %lt3A_258 : vector<16xi32>
          %and3A_260 = arith.andi %ge3A_256, %lt3A_259 : vector<16xi1>
          %jit3A_261 = arith.constant 0 : i32
          %broadcast_in_dim3A_262 = vector.broadcast %jit3A_261 : i32 to vector<16xi32>
          %select_n3A_263 = arith.select %and3A_260, %sub3A_252, %broadcast_in_dim3A_262 : vector<16xi1>, vector<16xi32>
          %gather3A = tpu.vector_load_idx %arg12[%select_n3A_263] masked %and3A_260 : memref<16384xf32, #tpu.memory_space<vmem>>[vector<16xi32>], vector<16xf32>, vector<16xi1>
          %lt3A_264 = arith.cmpf olt, %get3A_254, %gather3A : vector<16xf32>
          %and3A_265 = arith.andi %and3A_260, %lt3A_264 : vector<16xi1>
          tpu.vector_store_idx %arg12[%select_n3A_263], %get3A_254 masked %and3A_265 : memref<16384xf32, #tpu.memory_space<vmem>>[vector<16xi32>], vector<16xf32>, vector<16xi1>
          %gather3A_266 = tpu.vector_load_idx %arg12[%select_n3A_263] masked %and3A_265 : memref<16384xf32, #tpu.memory_space<vmem>>[vector<16xi32>], vector<16xf32>, vector<16xi1>
          %lt3A_267 = arith.cmpf olt, %get3A_254, %gather3A_266 : vector<16xf32>
          %and3A_268 = arith.andi %and3A_265, %lt3A_267 : vector<16xi1>
          %convert_element_type3A_269 = arith.extui %and3A_268 : vector<16xi1> to vector<16xi32>
          %or3A = arith.ori %scan3A_247, %convert_element_type3A_269 : vector<16xi32>
          scf.yield %or3A : vector<16xi32>
        }
        %scan3A_234 = arith.constant 256 : i32
        %ne3A_235 = arith.constant 0 : i32
        %ne3A_236 = vector.broadcast %ne3A_235 : i32 to vector<16xi32>
        %ne3A_237 = arith.cmpi ne, %scan3A_233, %ne3A_236 : vector<16xi32>
        %all_reduce_population_count3A_238 = tpu.all_reduce %ne3A_237 {dim = 0 : i64, kind = #tpu.reduction_kind<sum>} : vector<16xi1> -> vector<16xi32>
        %slice3A_239 = vector.extract_strided_slice %all_reduce_population_count3A_238 {offsets = [0], sizes = [1], strides = [1]} : vector<16xi32> to vector<1xi32>
        %squeeze3A_240 = vector.extract %slice3A_239[0] : i32 from vector<1xi32>
        %gt3A_241 = arith.constant 0 : i32
        %gt3A_242 = arith.cmpi sgt, %squeeze3A_240, %gt3A_241 : i32
        %convert_element_type3A_243 = arith.extui %gt3A_242 : i1 to i32
        %cond3A_244 = arith.constant 0 : i32
        %cond3A_245 = arith.cmpi ne, %convert_element_type3A_243, %cond3A_244 : i32
        scf.if %cond3A_245 {
          %scan3A_246 = arith.constant 0 : i32
          %scan3A_247 = arith.constant 256 : i32
          %scan3A_248 = arith.addi %scan3A_246, %scan3A_247 : i32
          %scan3A_249 = arith.constant 1 : i32
          scf.for %scan3A_251 = %scan3A_246 to %scan3A_248 step %scan3A_249  : i32 {
            %mul3A_252 = arith.constant 16 : i32
            %mul3A_253 = arith.muli %scan3A_251, %mul3A_252 : i32
            %add3A_254 = arith.constant 0 : i32
            %add3A_255 = arith.addi %add3A_254, %mul3A_253 : i32
            %get3A = arith.index_cast %add3A_255 : i32 to index
            %get3A_256 = tpu.vector_load %arg22[%get3A] {strides = array<i32>} : memref<4096xi32, #tpu.memory_space<vmem>>, vector<16xi32>,
            %sub3A_257 = vector.broadcast %mul3A_0 : i32 to vector<16xi32>
            %sub3A_258 = arith.subi %get3A_256, %sub3A_257 : vector<16xi32>
            %get3A_259 = arith.index_cast %add3A_255 : i32 to index
            %get3A_260 = tpu.vector_load %arg23[%get3A_259] {strides = array<i32>} : memref<4096xf32, #tpu.memory_space<vmem>>, vector<16xf32>,
            %ge3A = arith.constant 0 : i32
            %ge3A_261 = vector.broadcast %ge3A : i32 to vector<16xi32>
            %ge3A_262 = arith.cmpi sge, %sub3A_258, %ge3A_261 : vector<16xi32>
            %lt3A_263 = arith.constant 16384 : i32
            %lt3A_264 = vector.broadcast %lt3A_263 : i32 to vector<16xi32>
            %lt3A_265 = arith.cmpi slt, %sub3A_258, %lt3A_264 : vector<16xi32>
            %and3A_266 = arith.andi %ge3A_262, %lt3A_265 : vector<16xi1>
            %jit3A_267 = arith.constant 0 : i32
            %broadcast_in_dim3A_268 = vector.broadcast %jit3A_267 : i32 to vector<16xi32>
            %select_n3A_269 = arith.select %and3A_266, %sub3A_258, %broadcast_in_dim3A_268 : vector<16xi1>, vector<16xi32>
            %gather3A = tpu.vector_load_idx %arg12[%select_n3A_269] masked %and3A_266 : memref<16384xf32, #tpu.memory_space<vmem>>[vector<16xi32>], vector<16xf32>, vector<16xi1>
            %lt3A_270 = arith.cmpf olt, %get3A_260, %gather3A : vector<16xf32>
            %and3A_271 = arith.andi %and3A_266, %lt3A_270 : vector<16xi1>
            %while3A_272 = scf.while (%while3A_273 = %and3A_271) : (vector<16xi1>) -> vector<16xi1> {
              %all_reduce_population_count3A_274 = tpu.all_reduce %while3A_273 {dim = 0 : i64, kind = #tpu.reduction_kind<sum>} : vector<16xi1> -> vector<16xi32>
              %slice3A_275 = vector.extract_strided_slice %all_reduce_population_count3A_274 {offsets = [0], sizes = [1], strides = [1]} : vector<16xi32> to vector<1xi32>
              %squeeze3A_276 = vector.extract %slice3A_275[0] : i32 from vector<1xi32>
              %gt3A_277 = arith.constant 0 : i32
              %gt3A_278 = arith.cmpi sgt, %squeeze3A_276, %gt3A_277 : i32
              scf.condition(%gt3A_278) %while3A_273 : vector<16xi1>
            } do {
            ^bb0(%while3A_273: vector<16xi1>):
              tpu.vector_store_idx %arg12[%select_n3A_269], %get3A_260 masked %while3A_273 : memref<16384xf32, #tpu.memory_space<vmem>>[vector<16xi32>], vector<16xf32>, vector<16xi1>
              %gather3A_274 = tpu.vector_load_idx %arg12[%select_n3A_269] masked %while3A_273 : memref<16384xf32, #tpu.memory_space<vmem>>[vector<16xi32>], vector<16xf32>, vector<16xi1>
              %lt3A_275 = arith.cmpf olt, %get3A_260, %gather3A_274 : vector<16xf32>
              %and3A_276 = arith.andi %while3A_273, %lt3A_275 : vector<16xi1>
              scf.yield %and3A_276 : vector<16xi1>
            }
          }
          %scan3A_250 = arith.constant 256 : i32
        } else {
        }
      }
      %dma_start3A_75 = tpu.memref_slice %arg2[%add3A_26, %mul3A_6] : memref<8x262144xi32, #tpu.memory_space<hbm>> -> memref<1x4096xi32, #tpu.memory_space<hbm>>
      %dma_start3A_76 = tpu.memref_squeeze %dma_start3A_75 : memref<1x4096xi32, #tpu.memory_space<hbm>> -> memref<4096xi32, #tpu.memory_space<hbm>>
      %dma_start3A_77 = tpu.memref_slice %arg2[%add3A_26, %mul3A_6] : memref<8x262144xi32, #tpu.memory_space<hbm>> -> memref<1x4096xi32, #tpu.memory_space<hbm>>
      %dma_start3A_78 = tpu.memref_squeeze %dma_start3A_77 : memref<1x4096xi32, #tpu.memory_space<hbm>> -> memref<4096xi32, #tpu.memory_space<hbm>>
      tpu.enqueue_dma source(%dma_start3A_78 : memref<4096xi32, #tpu.memory_space<hbm>>) target(%arg17 : memref<4096xi32, #tpu.memory_space<vmem>>) target_semaphore(%arg27 : memref<!tpu.dma_semaphore, #tpu.memory_space<semaphore_mem>>)
      %dma_start3A_79 = tpu.memref_slice %arg3[%add3A_26, %mul3A_6] : memref<8x262144xf32, #tpu.memory_space<hbm>> -> memref<1x4096xf32, #tpu.memory_space<hbm>>
      %dma_start3A_80 = tpu.memref_squeeze %dma_start3A_79 : memref<1x4096xf32, #tpu.memory_space<hbm>> -> memref<4096xf32, #tpu.memory_space<hbm>>
      %dma_start3A_81 = tpu.memref_slice %arg3[%add3A_26, %mul3A_6] : memref<8x262144xf32, #tpu.memory_space<hbm>> -> memref<1x4096xf32, #tpu.memory_space<hbm>>
      %dma_start3A_82 = tpu.memref_squeeze %dma_start3A_81 : memref<1x4096xf32, #tpu.memory_space<hbm>> -> memref<4096xf32, #tpu.memory_space<hbm>>
      tpu.enqueue_dma source(%dma_start3A_82 : memref<4096xf32, #tpu.memory_space<hbm>>) target(%arg18 : memref<4096xf32, #tpu.memory_space<vmem>>) target_semaphore(%arg27 : memref<!tpu.dma_semaphore, #tpu.memory_space<semaphore_mem>>)
      %dma_start3A_83 = tpu.memref_slice %arg4[%add3A_26, %mul3A_6] : memref<8x262144xf32, #tpu.memory_space<hbm>> -> memref<1x4096xf32, #tpu.memory_space<hbm>>
      %dma_start3A_84 = tpu.memref_squeeze %dma_start3A_83 : memref<1x4096xf32, #tpu.memory_space<hbm>> -> memref<4096xf32, #tpu.memory_space<hbm>>
      %dma_start3A_85 = tpu.memref_slice %arg4[%add3A_26, %mul3A_6] : memref<8x262144xf32, #tpu.memory_space<hbm>> -> memref<1x4096xf32, #tpu.memory_space<hbm>>
      %dma_start3A_86 = tpu.memref_squeeze %dma_start3A_85 : memref<1x4096xf32, #tpu.memory_space<hbm>> -> memref<4096xf32, #tpu.memory_space<hbm>>
      tpu.enqueue_dma source(%dma_start3A_86 : memref<4096xf32, #tpu.memory_space<hbm>>) target(%arg19 : memref<4096xf32, #tpu.memory_space<vmem>>) target_semaphore(%arg27 : memref<!tpu.dma_semaphore, #tpu.memory_space<semaphore_mem>>)
      %dma_start3A_87 = tpu.memref_slice %arg5[%add3A_26, %mul3A_6] : memref<8x262144xf32, #tpu.memory_space<hbm>> -> memref<1x4096xf32, #tpu.memory_space<hbm>>
      %dma_start3A_88 = tpu.memref_squeeze %dma_start3A_87 : memref<1x4096xf32, #tpu.memory_space<hbm>> -> memref<4096xf32, #tpu.memory_space<hbm>>
      %dma_start3A_89 = tpu.memref_slice %arg5[%add3A_26, %mul3A_6] : memref<8x262144xf32, #tpu.memory_space<hbm>> -> memref<1x4096xf32, #tpu.memory_space<hbm>>
      %dma_start3A_90 = tpu.memref_squeeze %dma_start3A_89 : memref<1x4096xf32, #tpu.memory_space<hbm>> -> memref<4096xf32, #tpu.memory_space<hbm>>
      tpu.enqueue_dma source(%dma_start3A_90 : memref<4096xf32, #tpu.memory_space<hbm>>) target(%arg20 : memref<4096xf32, #tpu.memory_space<vmem>>) target_semaphore(%arg27 : memref<!tpu.dma_semaphore, #tpu.memory_space<semaphore_mem>>)
      %dma_start3A_91 = tpu.memref_slice %arg6[%add3A_26, %mul3A_6] : memref<8x262144xf32, #tpu.memory_space<hbm>> -> memref<1x4096xf32, #tpu.memory_space<hbm>>
      %dma_start3A_92 = tpu.memref_squeeze %dma_start3A_91 : memref<1x4096xf32, #tpu.memory_space<hbm>> -> memref<4096xf32, #tpu.memory_space<hbm>>
      %dma_start3A_93 = tpu.memref_slice %arg6[%add3A_26, %mul3A_6] : memref<8x262144xf32, #tpu.memory_space<hbm>> -> memref<1x4096xf32, #tpu.memory_space<hbm>>
      %dma_start3A_94 = tpu.memref_squeeze %dma_start3A_93 : memref<1x4096xf32, #tpu.memory_space<hbm>> -> memref<4096xf32, #tpu.memory_space<hbm>>
      tpu.enqueue_dma source(%dma_start3A_94 : memref<4096xf32, #tpu.memory_space<hbm>>) target(%arg21 : memref<4096xf32, #tpu.memory_space<vmem>>) target_semaphore(%arg27 : memref<!tpu.dma_semaphore, #tpu.memory_space<semaphore_mem>>)
      %sub3A_95 = arith.subi %mul3A_14, %mul3A_6 : i32
      %jit3A_96 = arith.constant 8192 : i32
      %div3A_97 = arith.divsi %sub3A_95, %jit3A_96 : i32
      %sign3A_98 = arith.constant 0 : i32
      %sign3A_99 = arith.cmpi sgt, %sub3A_95, %sign3A_98 : i32
      %sign3A_100 = arith.extui %sign3A_99 : i1 to i32
      %sign3A_101 = arith.constant 0 : i32
      %sign3A_102 = arith.cmpi slt, %sub3A_95, %sign3A_101 : i32
      %sign3A_103 = arith.extui %sign3A_102 : i1 to i32
      %sign3A_104 = arith.subi %sign3A_100, %sign3A_103 : i32
      %sign3A_105 = arith.constant 0 : i32
      %sign3A_106 = arith.cmpi sgt, %jit3A_96, %sign3A_105 : i32
      %sign3A_107 = arith.extui %sign3A_106 : i1 to i32
      %sign3A_108 = arith.constant 0 : i32
      %sign3A_109 = arith.cmpi slt, %jit3A_96, %sign3A_108 : i32
      %sign3A_110 = arith.extui %sign3A_109 : i1 to i32
      %sign3A_111 = arith.subi %sign3A_107, %sign3A_110 : i32
      %ne3A_112 = arith.cmpi ne, %sign3A_104, %sign3A_111 : i32
      %rem3A_113 = arith.remsi %sub3A_95, %jit3A_96 : i32
      %ne3A_114 = arith.constant 0 : i32
      %ne3A_115 = arith.cmpi ne, %rem3A_113, %ne3A_114 : i32
      %and3A_116 = arith.andi %ne3A_112, %ne3A_115 : i1
      %sub3A_117 = arith.constant 1 : i32
      %sub3A_118 = arith.subi %div3A_97, %sub3A_117 : i32
      %select_n3A_119 = arith.select %and3A_116, %sub3A_118, %div3A_97 : i32
      %sub3A_120 = arith.constant 0 : i32
      %sub3A_121 = arith.subi %select_n3A_119, %sub3A_120 : i32
      %sub3A_122 = arith.constant 1 : i32
      %sub3A_123 = arith.constant 1 : i32
      %sub3A_124 = arith.subi %sub3A_122, %sub3A_123 : i32
      %add3A_125 = arith.addi %sub3A_121, %sub3A_124 : i32
      %div3A_126 = arith.constant 1 : i32
      %div3A_127 = arith.divsi %add3A_125, %div3A_126 : i32
      %while3A_128 = arith.constant 1 : i32
      %while3A_129 = arith.constant 0 : i32
      %while3A_130 = arith.constant 0 : i32
      %while3A_131 = arith.subi %div3A_127, %while3A_130 : i32
      %while3A_132 = arith.addi %while3A_130, %while3A_131 : i32
      %while3A_133 = arith.constant 1 : i32
      %while3A_134 = arith.divsi %while3A_131, %while3A_133 : i32
      %while3A_135 = arith.muli %while3A_134, %while3A_133 : i32
      %while3A_136 = arith.addi %while3A_130, %while3A_135 : i32
      %while3A_137 = arith.constant 1 : i32
      scf.for %while3A_178 = %while3A_130 to %while3A_136 step %while3A_137  : i32 {
        %mul3A_179 = arith.muli %while3A_178, %while3A_128 : i32
        %add3A_180 = arith.addi %while3A_129, %mul3A_179 : i32
        %mul3A_181 = arith.constant 8192 : i32
        %mul3A_182 = arith.muli %add3A_180, %mul3A_181 : i32
        %add3A_183 = arith.addi %mul3A_6, %mul3A_182 : i32
        %add3A_184 = arith.constant 4096 : i32
        %add3A_185 = arith.addi %add3A_183, %add3A_184 : i32
        %add3A_186 = arith.constant 8192 : i32
        %add3A_187 = arith.addi %add3A_183, %add3A_186 : i32
        %dma_start3A_188 = tpu.memref_slice %arg2[%add3A_26, %add3A_185] : memref<8x262144xi32, #tpu.memory_space<hbm>> -> memref<1x4096xi32, #tpu.memory_space<hbm>>
        %dma_start3A_189 = tpu.memref_squeeze %dma_start3A_188 : memref<1x4096xi32, #tpu.memory_space<hbm>> -> memref<4096xi32, #tpu.memory_space<hbm>>
        %dma_start3A_190 = tpu.memref_slice %arg2[%add3A_26, %add3A_185] : memref<8x262144xi32, #tpu.memory_space<hbm>> -> memref<1x4096xi32, #tpu.memory_space<hbm>>
        %dma_start3A_191 = tpu.memref_squeeze %dma_start3A_190 : memref<1x4096xi32, #tpu.memory_space<hbm>> -> memref<4096xi32, #tpu.memory_space<hbm>>
        tpu.enqueue_dma source(%dma_start3A_191 : memref<4096xi32, #tpu.memory_space<hbm>>) target(%arg22 : memref<4096xi32, #tpu.memory_space<vmem>>) target_semaphore(%arg28 : memref<!tpu.dma_semaphore, #tpu.memory_space<semaphore_mem>>)
        %dma_start3A_192 = tpu.memref_slice %arg3[%add3A_26, %add3A_185] : memref<8x262144xf32, #tpu.memory_space<hbm>> -> memref<1x4096xf32, #tpu.memory_space<hbm>>
        %dma_start3A_193 = tpu.memref_squeeze %dma_start3A_192 : memref<1x4096xf32, #tpu.memory_space<hbm>> -> memref<4096xf32, #tpu.memory_space<hbm>>
        %dma_start3A_194 = tpu.memref_slice %arg3[%add3A_26, %add3A_185] : memref<8x262144xf32, #tpu.memory_space<hbm>> -> memref<1x4096xf32, #tpu.memory_space<hbm>>
        %dma_start3A_195 = tpu.memref_squeeze %dma_start3A_194 : memref<1x4096xf32, #tpu.memory_space<hbm>> -> memref<4096xf32, #tpu.memory_space<hbm>>
        tpu.enqueue_dma source(%dma_start3A_195 : memref<4096xf32, #tpu.memory_space<hbm>>) target(%arg23 : memref<4096xf32, #tpu.memory_space<vmem>>) target_semaphore(%arg28 : memref<!tpu.dma_semaphore, #tpu.memory_space<semaphore_mem>>)
        %dma_start3A_196 = tpu.memref_slice %arg4[%add3A_26, %add3A_185] : memref<8x262144xf32, #tpu.memory_space<hbm>> -> memref<1x4096xf32, #tpu.memory_space<hbm>>
        %dma_start3A_197 = tpu.memref_squeeze %dma_start3A_196 : memref<1x4096xf32, #tpu.memory_space<hbm>> -> memref<4096xf32, #tpu.memory_space<hbm>>
        %dma_start3A_198 = tpu.memref_slice %arg4[%add3A_26, %add3A_185] : memref<8x262144xf32, #tpu.memory_space<hbm>> -> memref<1x4096xf32, #tpu.memory_space<hbm>>
        %dma_start3A_199 = tpu.memref_squeeze %dma_start3A_198 : memref<1x4096xf32, #tpu.memory_space<hbm>> -> memref<4096xf32, #tpu.memory_space<hbm>>
        tpu.enqueue_dma source(%dma_start3A_199 : memref<4096xf32, #tpu.memory_space<hbm>>) target(%arg24 : memref<4096xf32, #tpu.memory_space<vmem>>) target_semaphore(%arg28 : memref<!tpu.dma_semaphore, #tpu.memory_space<semaphore_mem>>)
        %dma_start3A_200 = tpu.memref_slice %arg5[%add3A_26, %add3A_185] : memref<8x262144xf32, #tpu.memory_space<hbm>> -> memref<1x4096xf32, #tpu.memory_space<hbm>>
        %dma_start3A_201 = tpu.memref_squeeze %dma_start3A_200 : memref<1x4096xf32, #tpu.memory_space<hbm>> -> memref<4096xf32, #tpu.memory_space<hbm>>
        %dma_start3A_202 = tpu.memref_slice %arg5[%add3A_26, %add3A_185] : memref<8x262144xf32, #tpu.memory_space<hbm>> -> memref<1x4096xf32, #tpu.memory_space<hbm>>
        %dma_start3A_203 = tpu.memref_squeeze %dma_start3A_202 : memref<1x4096xf32, #tpu.memory_space<hbm>> -> memref<4096xf32, #tpu.memory_space<hbm>>
        tpu.enqueue_dma source(%dma_start3A_203 : memref<4096xf32, #tpu.memory_space<hbm>>) target(%arg25 : memref<4096xf32, #tpu.memory_space<vmem>>) target_semaphore(%arg28 : memref<!tpu.dma_semaphore, #tpu.memory_space<semaphore_mem>>)
        %dma_start3A_204 = tpu.memref_slice %arg6[%add3A_26, %add3A_185] : memref<8x262144xf32, #tpu.memory_space<hbm>> -> memref<1x4096xf32, #tpu.memory_space<hbm>>
        %dma_start3A_205 = tpu.memref_squeeze %dma_start3A_204 : memref<1x4096xf32, #tpu.memory_space<hbm>> -> memref<4096xf32, #tpu.memory_space<hbm>>
        %dma_start3A_206 = tpu.memref_slice %arg6[%add3A_26, %add3A_185] : memref<8x262144xf32, #tpu.memory_space<hbm>> -> memref<1x4096xf32, #tpu.memory_space<hbm>>
        %dma_start3A_207 = tpu.memref_squeeze %dma_start3A_206 : memref<1x4096xf32, #tpu.memory_space<hbm>> -> memref<4096xf32, #tpu.memory_space<hbm>>
        tpu.enqueue_dma source(%dma_start3A_207 : memref<4096xf32, #tpu.memory_space<hbm>>) target(%arg26 : memref<4096xf32, #tpu.memory_space<vmem>>) target_semaphore(%arg28 : memref<!tpu.dma_semaphore, #tpu.memory_space<semaphore_mem>>)
        %dma_wait3A_208 = tpu.memref_slice %arg2[%add3A_26, %add3A_183] : memref<8x262144xi32, #tpu.memory_space<hbm>> -> memref<1x4096xi32, #tpu.memory_space<hbm>>
        %dma_wait3A_209 = tpu.memref_squeeze %dma_wait3A_208 : memref<1x4096xi32, #tpu.memory_space<hbm>> -> memref<4096xi32, #tpu.memory_space<hbm>>
        %dma_wait3A_210 = tpu.memref_slice %arg2[%add3A_26, %add3A_183] : memref<8x262144xi32, #tpu.memory_space<hbm>> -> memref<1x4096xi32, #tpu.memory_space<hbm>>
        %dma_wait3A_211 = tpu.memref_squeeze %dma_wait3A_210 : memref<1x4096xi32, #tpu.memory_space<hbm>> -> memref<4096xi32, #tpu.memory_space<hbm>>
        tpu.wait_dma2 semaphore(%arg27 : memref<!tpu.dma_semaphore, #tpu.memory_space<semaphore_mem>>) src(%dma_wait3A_211 : memref<4096xi32, #tpu.memory_space<hbm>>) dst(%arg17 : memref<4096xi32, #tpu.memory_space<vmem>>)
        %dma_wait3A_212 = tpu.memref_slice %arg3[%add3A_26, %add3A_183] : memref<8x262144xf32, #tpu.memory_space<hbm>> -> memref<1x4096xf32, #tpu.memory_space<hbm>>
        %dma_wait3A_213 = tpu.memref_squeeze %dma_wait3A_212 : memref<1x4096xf32, #tpu.memory_space<hbm>> -> memref<4096xf32, #tpu.memory_space<hbm>>
        %dma_wait3A_214 = tpu.memref_slice %arg3[%add3A_26, %add3A_183] : memref<8x262144xf32, #tpu.memory_space<hbm>> -> memref<1x4096xf32, #tpu.memory_space<hbm>>
        %dma_wait3A_215 = tpu.memref_squeeze %dma_wait3A_214 : memref<1x4096xf32, #tpu.memory_space<hbm>> -> memref<4096xf32, #tpu.memory_space<hbm>>
        tpu.wait_dma2 semaphore(%arg27 : memref<!tpu.dma_semaphore, #tpu.memory_space<semaphore_mem>>) src(%dma_wait3A_215 : memref<4096xf32, #tpu.memory_space<hbm>>) dst(%arg18 : memref<4096xf32, #tpu.memory_space<vmem>>)
        %dma_wait3A_216 = tpu.memref_slice %arg4[%add3A_26, %add3A_183] : memref<8x262144xf32, #tpu.memory_space<hbm>> -> memref<1x4096xf32, #tpu.memory_space<hbm>>
        %dma_wait3A_217 = tpu.memref_squeeze %dma_wait3A_216 : memref<1x4096xf32, #tpu.memory_space<hbm>> -> memref<4096xf32, #tpu.memory_space<hbm>>
        %dma_wait3A_218 = tpu.memref_slice %arg4[%add3A_26, %add3A_183] : memref<8x262144xf32, #tpu.memory_space<hbm>> -> memref<1x4096xf32, #tpu.memory_space<hbm>>
        %dma_wait3A_219 = tpu.memref_squeeze %dma_wait3A_218 : memref<1x4096xf32, #tpu.memory_space<hbm>> -> memref<4096xf32, #tpu.memory_space<hbm>>
        tpu.wait_dma2 semaphore(%arg27 : memref<!tpu.dma_semaphore, #tpu.memory_space<semaphore_mem>>) src(%dma_wait3A_219 : memref<4096xf32, #tpu.memory_space<hbm>>) dst(%arg19 : memref<4096xf32, #tpu.memory_space<vmem>>)
        %dma_wait3A_220 = tpu.memref_slice %arg5[%add3A_26, %add3A_183] : memref<8x262144xf32, #tpu.memory_space<hbm>> -> memref<1x4096xf32, #tpu.memory_space<hbm>>
        %dma_wait3A_221 = tpu.memref_squeeze %dma_wait3A_220 : memref<1x4096xf32, #tpu.memory_space<hbm>> -> memref<4096xf32, #tpu.memory_space<hbm>>
        %dma_wait3A_222 = tpu.memref_slice %arg5[%add3A_26, %add3A_183] : memref<8x262144xf32, #tpu.memory_space<hbm>> -> memref<1x4096xf32, #tpu.memory_space<hbm>>
        %dma_wait3A_223 = tpu.memref_squeeze %dma_wait3A_222 : memref<1x4096xf32, #tpu.memory_space<hbm>> -> memref<4096xf32, #tpu.memory_space<hbm>>
        tpu.wait_dma2 semaphore(%arg27 : memref<!tpu.dma_semaphore, #tpu.memory_space<semaphore_mem>>) src(%dma_wait3A_223 : memref<4096xf32, #tpu.memory_space<hbm>>) dst(%arg20 : memref<4096xf32, #tpu.memory_space<vmem>>)
        %dma_wait3A_224 = tpu.memref_slice %arg6[%add3A_26, %add3A_183] : memref<8x262144xf32, #tpu.memory_space<hbm>> -> memref<1x4096xf32, #tpu.memory_space<hbm>>
        %dma_wait3A_225 = tpu.memref_squeeze %dma_wait3A_224 : memref<1x4096xf32, #tpu.memory_space<hbm>> -> memref<4096xf32, #tpu.memory_space<hbm>>
        %dma_wait3A_226 = tpu.memref_slice %arg6[%add3A_26, %add3A_183] : memref<8x262144xf32, #tpu.memory_space<hbm>> -> memref<1x4096xf32, #tpu.memory_space<hbm>>
        %dma_wait3A_227 = tpu.memref_squeeze %dma_wait3A_226 : memref<1x4096xf32, #tpu.memory_space<hbm>> -> memref<4096xf32, #tpu.memory_space<hbm>>
        tpu.wait_dma2 semaphore(%arg27 : memref<!tpu.dma_semaphore, #tpu.memory_space<semaphore_mem>>) src(%dma_wait3A_227 : memref<4096xf32, #tpu.memory_space<hbm>>) dst(%arg21 : memref<4096xf32, #tpu.memory_space<vmem>>)
        %scan3A_228 = arith.constant 0 : i32
        %scan3A_229 = arith.constant 256 : i32
        %scan3A_230 = arith.addi %scan3A_228, %scan3A_229 : i32
        %scan3A_231 = arith.constant 1 : i32
        scf.for %scan3A_259 = %scan3A_228 to %scan3A_230 step %scan3A_231  : i32 {
          %mul3A_260 = arith.constant 16 : i32
          %mul3A_261 = arith.muli %scan3A_259, %mul3A_260 : i32
          %add3A_262 = arith.constant 0 : i32
          %add3A_263 = arith.addi %add3A_262, %mul3A_261 : i32
          %get3A = arith.index_cast %add3A_263 : i32 to index
          %get3A_264 = tpu.vector_load %arg17[%get3A] {strides = array<i32>} : memref<4096xi32, #tpu.memory_space<vmem>>, vector<16xi32>,
          %sub3A_265 = vector.broadcast %mul3A_0 : i32 to vector<16xi32>
          %sub3A_266 = arith.subi %get3A_264, %sub3A_265 : vector<16xi32>
          %get3A_267 = arith.index_cast %add3A_263 : i32 to index
          %get3A_268 = tpu.vector_load %arg18[%get3A_267] {strides = array<i32>} : memref<4096xf32, #tpu.memory_space<vmem>>, vector<16xf32>,
          %ge3A = arith.constant 0 : i32
          %ge3A_269 = vector.broadcast %ge3A : i32 to vector<16xi32>
          %ge3A_270 = arith.cmpi sge, %sub3A_266, %ge3A_269 : vector<16xi32>
          %lt3A_271 = arith.constant 16384 : i32
          %lt3A_272 = vector.broadcast %lt3A_271 : i32 to vector<16xi32>
          %lt3A_273 = arith.cmpi slt, %sub3A_266, %lt3A_272 : vector<16xi32>
          %and3A_274 = arith.andi %ge3A_270, %lt3A_273 : vector<16xi1>
          %jit3A_275 = arith.constant 0 : i32
          %broadcast_in_dim3A = vector.broadcast %jit3A_275 : i32 to vector<16xi32>
          %select_n3A_276 = arith.select %and3A_274, %sub3A_266, %broadcast_in_dim3A : vector<16xi1>, vector<16xi32>
          %gather3A = tpu.vector_load_idx %arg12[%select_n3A_276] masked %and3A_274 : memref<16384xf32, #tpu.memory_space<vmem>>[vector<16xi32>], vector<16xf32>, vector<16xi1>
          %mul3A_277 = arith.constant 1.000010e+00 : f32
          %mul3A_278 = vector.broadcast %mul3A_277 : f32 to vector<16xf32>
          %mul3A_279 = arith.mulf %gather3A, %mul3A_278 : vector<16xf32>
          %add3A_280 = arith.constant 9.99999974E-6 : f32
          %add3A_281 = vector.broadcast %add3A_280 : f32 to vector<16xf32>
          %add3A_282 = arith.addf %mul3A_279, %add3A_281 : vector<16xf32>
          %le3A = arith.cmpf ole, %get3A_268, %add3A_282 : vector<16xf32>
          %and3A_283 = arith.andi %and3A_274, %le3A : vector<16xi1>
          %broadcast_in_dim3A_284 = arith.constant 1.000000e+00 : f32
          %broadcast_in_dim3A_285 = vector.broadcast %broadcast_in_dim3A_284 : f32 to vector<16xf32>
          tpu.vector_store_idx %arg13[%select_n3A_276], %broadcast_in_dim3A_285 masked %and3A_283 {add = true} : memref<16384xf32, #tpu.memory_space<vmem>>[vector<16xi32>], vector<16xf32>, vector<16xi1>
          %get3A_286 = arith.index_cast %add3A_263 : i32 to index
          %get3A_287 = tpu.vector_load %arg19[%get3A_286] {strides = array<i32>} : memref<4096xf32, #tpu.memory_space<vmem>>, vector<16xf32>,
          tpu.vector_store_idx %arg14[%select_n3A_276], %get3A_287 masked %and3A_283 {add = true} : memref<16384xf32, #tpu.memory_space<vmem>>[vector<16xi32>], vector<16xf32>, vector<16xi1>
          %get3A_288 = arith.index_cast %add3A_263 : i32 to index
          %get3A_289 = tpu.vector_load %arg20[%get3A_288] {strides = array<i32>} : memref<4096xf32, #tpu.memory_space<vmem>>, vector<16xf32>,
          tpu.vector_store_idx %arg15[%select_n3A_276], %get3A_289 masked %and3A_283 {add = true} : memref<16384xf32, #tpu.memory_space<vmem>>[vector<16xi32>], vector<16xf32>, vector<16xi1>
          %get3A_290 = arith.index_cast %add3A_263 : i32 to index
          %get3A_291 = tpu.vector_load %arg21[%get3A_290] {strides = array<i32>} : memref<4096xf32, #tpu.memory_space<vmem>>, vector<16xf32>,
          tpu.vector_store_idx %arg16[%select_n3A_276], %get3A_291 masked %and3A_283 {add = true} : memref<16384xf32, #tpu.memory_space<vmem>>[vector<16xi32>], vector<16xf32>, vector<16xi1>
        }
        %scan3A_232 = arith.constant 256 : i32
        %lt3A = arith.cmpi slt, %add3A_187, %mul3A_14 : i32
        %convert_element_type3A = arith.extui %lt3A : i1 to i32
        %cond3A = arith.constant 0 : i32
        %cond3A_233 = arith.cmpi ne, %convert_element_type3A, %cond3A : i32
        scf.if %cond3A_233 {
          %dma_start3A_259 = tpu.memref_slice %arg2[%add3A_26, %add3A_187] : memref<8x262144xi32, #tpu.memory_space<hbm>> -> memref<1x4096xi32, #tpu.memory_space<hbm>>
          %dma_start3A_260 = tpu.memref_squeeze %dma_start3A_259 : memref<1x4096xi32, #tpu.memory_space<hbm>> -> memref<4096xi32, #tpu.memory_space<hbm>>
          %dma_start3A_261 = tpu.memref_slice %arg2[%add3A_26, %add3A_187] : memref<8x262144xi32, #tpu.memory_space<hbm>> -> memref<1x4096xi32, #tpu.memory_space<hbm>>
          %dma_start3A_262 = tpu.memref_squeeze %dma_start3A_261 : memref<1x4096xi32, #tpu.memory_space<hbm>> -> memref<4096xi32, #tpu.memory_space<hbm>>
          tpu.enqueue_dma source(%dma_start3A_262 : memref<4096xi32, #tpu.memory_space<hbm>>) target(%arg17 : memref<4096xi32, #tpu.memory_space<vmem>>) target_semaphore(%arg27 : memref<!tpu.dma_semaphore, #tpu.memory_space<semaphore_mem>>)
          %dma_start3A_263 = tpu.memref_slice %arg3[%add3A_26, %add3A_187] : memref<8x262144xf32, #tpu.memory_space<hbm>> -> memref<1x4096xf32, #tpu.memory_space<hbm>>
          %dma_start3A_264 = tpu.memref_squeeze %dma_start3A_263 : memref<1x4096xf32, #tpu.memory_space<hbm>> -> memref<4096xf32, #tpu.memory_space<hbm>>
          %dma_start3A_265 = tpu.memref_slice %arg3[%add3A_26, %add3A_187] : memref<8x262144xf32, #tpu.memory_space<hbm>> -> memref<1x4096xf32, #tpu.memory_space<hbm>>
          %dma_start3A_266 = tpu.memref_squeeze %dma_start3A_265 : memref<1x4096xf32, #tpu.memory_space<hbm>> -> memref<4096xf32, #tpu.memory_space<hbm>>
          tpu.enqueue_dma source(%dma_start3A_266 : memref<4096xf32, #tpu.memory_space<hbm>>) target(%arg18 : memref<4096xf32, #tpu.memory_space<vmem>>) target_semaphore(%arg27 : memref<!tpu.dma_semaphore, #tpu.memory_space<semaphore_mem>>)
          %dma_start3A_267 = tpu.memref_slice %arg4[%add3A_26, %add3A_187] : memref<8x262144xf32, #tpu.memory_space<hbm>> -> memref<1x4096xf32, #tpu.memory_space<hbm>>
          %dma_start3A_268 = tpu.memref_squeeze %dma_start3A_267 : memref<1x4096xf32, #tpu.memory_space<hbm>> -> memref<4096xf32, #tpu.memory_space<hbm>>
          %dma_start3A_269 = tpu.memref_slice %arg4[%add3A_26, %add3A_187] : memref<8x262144xf32, #tpu.memory_space<hbm>> -> memref<1x4096xf32, #tpu.memory_space<hbm>>
          %dma_start3A_270 = tpu.memref_squeeze %dma_start3A_269 : memref<1x4096xf32, #tpu.memory_space<hbm>> -> memref<4096xf32, #tpu.memory_space<hbm>>
          tpu.enqueue_dma source(%dma_start3A_270 : memref<4096xf32, #tpu.memory_space<hbm>>) target(%arg19 : memref<4096xf32, #tpu.memory_space<vmem>>) target_semaphore(%arg27 : memref<!tpu.dma_semaphore, #tpu.memory_space<semaphore_mem>>)
          %dma_start3A_271 = tpu.memref_slice %arg5[%add3A_26, %add3A_187] : memref<8x262144xf32, #tpu.memory_space<hbm>> -> memref<1x4096xf32, #tpu.memory_space<hbm>>
          %dma_start3A_272 = tpu.memref_squeeze %dma_start3A_271 : memref<1x4096xf32, #tpu.memory_space<hbm>> -> memref<4096xf32, #tpu.memory_space<hbm>>
          %dma_start3A_273 = tpu.memref_slice %arg5[%add3A_26, %add3A_187] : memref<8x262144xf32, #tpu.memory_space<hbm>> -> memref<1x4096xf32, #tpu.memory_space<hbm>>
          %dma_start3A_274 = tpu.memref_squeeze %dma_start3A_273 : memref<1x4096xf32, #tpu.memory_space<hbm>> -> memref<4096xf32, #tpu.memory_space<hbm>>
          tpu.enqueue_dma source(%dma_start3A_274 : memref<4096xf32, #tpu.memory_space<hbm>>) target(%arg20 : memref<4096xf32, #tpu.memory_space<vmem>>) target_semaphore(%arg27 : memref<!tpu.dma_semaphore, #tpu.memory_space<semaphore_mem>>)
          %dma_start3A_275 = tpu.memref_slice %arg6[%add3A_26, %add3A_187] : memref<8x262144xf32, #tpu.memory_space<hbm>> -> memref<1x4096xf32, #tpu.memory_space<hbm>>
          %dma_start3A_276 = tpu.memref_squeeze %dma_start3A_275 : memref<1x4096xf32, #tpu.memory_space<hbm>> -> memref<4096xf32, #tpu.memory_space<hbm>>
          %dma_start3A_277 = tpu.memref_slice %arg6[%add3A_26, %add3A_187] : memref<8x262144xf32, #tpu.memory_space<hbm>> -> memref<1x4096xf32, #tpu.memory_space<hbm>>
          %dma_start3A_278 = tpu.memref_squeeze %dma_start3A_277 : memref<1x4096xf32, #tpu.memory_space<hbm>> -> memref<4096xf32, #tpu.memory_space<hbm>>
          tpu.enqueue_dma source(%dma_start3A_278 : memref<4096xf32, #tpu.memory_space<hbm>>) target(%arg21 : memref<4096xf32, #tpu.memory_space<vmem>>) target_semaphore(%arg27 : memref<!tpu.dma_semaphore, #tpu.memory_space<semaphore_mem>>)
        } else {
        }
        %dma_wait3A_234 = tpu.memref_slice %arg2[%add3A_26, %add3A_185] : memref<8x262144xi32, #tpu.memory_space<hbm>> -> memref<1x4096xi32, #tpu.memory_space<hbm>>
        %dma_wait3A_235 = tpu.memref_squeeze %dma_wait3A_234 : memref<1x4096xi32, #tpu.memory_space<hbm>> -> memref<4096xi32, #tpu.memory_space<hbm>>
        %dma_wait3A_236 = tpu.memref_slice %arg2[%add3A_26, %add3A_185] : memref<8x262144xi32, #tpu.memory_space<hbm>> -> memref<1x4096xi32, #tpu.memory_space<hbm>>
        %dma_wait3A_237 = tpu.memref_squeeze %dma_wait3A_236 : memref<1x4096xi32, #tpu.memory_space<hbm>> -> memref<4096xi32, #tpu.memory_space<hbm>>
        tpu.wait_dma2 semaphore(%arg28 : memref<!tpu.dma_semaphore, #tpu.memory_space<semaphore_mem>>) src(%dma_wait3A_237 : memref<4096xi32, #tpu.memory_space<hbm>>) dst(%arg22 : memref<4096xi32, #tpu.memory_space<vmem>>)
        %dma_wait3A_238 = tpu.memref_slice %arg3[%add3A_26, %add3A_185] : memref<8x262144xf32, #tpu.memory_space<hbm>> -> memref<1x4096xf32, #tpu.memory_space<hbm>>
        %dma_wait3A_239 = tpu.memref_squeeze %dma_wait3A_238 : memref<1x4096xf32, #tpu.memory_space<hbm>> -> memref<4096xf32, #tpu.memory_space<hbm>>
        %dma_wait3A_240 = tpu.memref_slice %arg3[%add3A_26, %add3A_185] : memref<8x262144xf32, #tpu.memory_space<hbm>> -> memref<1x4096xf32, #tpu.memory_space<hbm>>
        %dma_wait3A_241 = tpu.memref_squeeze %dma_wait3A_240 : memref<1x4096xf32, #tpu.memory_space<hbm>> -> memref<4096xf32, #tpu.memory_space<hbm>>
        tpu.wait_dma2 semaphore(%arg28 : memref<!tpu.dma_semaphore, #tpu.memory_space<semaphore_mem>>) src(%dma_wait3A_241 : memref<4096xf32, #tpu.memory_space<hbm>>) dst(%arg23 : memref<4096xf32, #tpu.memory_space<vmem>>)
        %dma_wait3A_242 = tpu.memref_slice %arg4[%add3A_26, %add3A_185] : memref<8x262144xf32, #tpu.memory_space<hbm>> -> memref<1x4096xf32, #tpu.memory_space<hbm>>
        %dma_wait3A_243 = tpu.memref_squeeze %dma_wait3A_242 : memref<1x4096xf32, #tpu.memory_space<hbm>> -> memref<4096xf32, #tpu.memory_space<hbm>>
        %dma_wait3A_244 = tpu.memref_slice %arg4[%add3A_26, %add3A_185] : memref<8x262144xf32, #tpu.memory_space<hbm>> -> memref<1x4096xf32, #tpu.memory_space<hbm>>
        %dma_wait3A_245 = tpu.memref_squeeze %dma_wait3A_244 : memref<1x4096xf32, #tpu.memory_space<hbm>> -> memref<4096xf32, #tpu.memory_space<hbm>>
        tpu.wait_dma2 semaphore(%arg28 : memref<!tpu.dma_semaphore, #tpu.memory_space<semaphore_mem>>) src(%dma_wait3A_245 : memref<4096xf32, #tpu.memory_space<hbm>>) dst(%arg24 : memref<4096xf32, #tpu.memory_space<vmem>>)
        %dma_wait3A_246 = tpu.memref_slice %arg5[%add3A_26, %add3A_185] : memref<8x262144xf32, #tpu.memory_space<hbm>> -> memref<1x4096xf32, #tpu.memory_space<hbm>>
        %dma_wait3A_247 = tpu.memref_squeeze %dma_wait3A_246 : memref<1x4096xf32, #tpu.memory_space<hbm>> -> memref<4096xf32, #tpu.memory_space<hbm>>
        %dma_wait3A_248 = tpu.memref_slice %arg5[%add3A_26, %add3A_185] : memref<8x262144xf32, #tpu.memory_space<hbm>> -> memref<1x4096xf32, #tpu.memory_space<hbm>>
        %dma_wait3A_249 = tpu.memref_squeeze %dma_wait3A_248 : memref<1x4096xf32, #tpu.memory_space<hbm>> -> memref<4096xf32, #tpu.memory_space<hbm>>
        tpu.wait_dma2 semaphore(%arg28 : memref<!tpu.dma_semaphore, #tpu.memory_space<semaphore_mem>>) src(%dma_wait3A_249 : memref<4096xf32, #tpu.memory_space<hbm>>) dst(%arg25 : memref<4096xf32, #tpu.memory_space<vmem>>)
        %dma_wait3A_250 = tpu.memref_slice %arg6[%add3A_26, %add3A_185] : memref<8x262144xf32, #tpu.memory_space<hbm>> -> memref<1x4096xf32, #tpu.memory_space<hbm>>
        %dma_wait3A_251 = tpu.memref_squeeze %dma_wait3A_250 : memref<1x4096xf32, #tpu.memory_space<hbm>> -> memref<4096xf32, #tpu.memory_space<hbm>>
        %dma_wait3A_252 = tpu.memref_slice %arg6[%add3A_26, %add3A_185] : memref<8x262144xf32, #tpu.memory_space<hbm>> -> memref<1x4096xf32, #tpu.memory_space<hbm>>
        %dma_wait3A_253 = tpu.memref_squeeze %dma_wait3A_252 : memref<1x4096xf32, #tpu.memory_space<hbm>> -> memref<4096xf32, #tpu.memory_space<hbm>>
        tpu.wait_dma2 semaphore(%arg28 : memref<!tpu.dma_semaphore, #tpu.memory_space<semaphore_mem>>) src(%dma_wait3A_253 : memref<4096xf32, #tpu.memory_space<hbm>>) dst(%arg26 : memref<4096xf32, #tpu.memory_space<vmem>>)
        %scan3A_254 = arith.constant 0 : i32
        %scan3A_255 = arith.constant 256 : i32
        %scan3A_256 = arith.addi %scan3A_254, %scan3A_255 : i32
        %scan3A_257 = arith.constant 1 : i32
        scf.for %scan3A_259 = %scan3A_254 to %scan3A_256 step %scan3A_257  : i32 {
          %mul3A_260 = arith.constant 16 : i32
          %mul3A_261 = arith.muli %scan3A_259, %mul3A_260 : i32
          %add3A_262 = arith.constant 0 : i32
          %add3A_263 = arith.addi %add3A_262, %mul3A_261 : i32
          %get3A = arith.index_cast %add3A_263 : i32 to index
          %get3A_264 = tpu.vector_load %arg22[%get3A] {strides = array<i32>} : memref<4096xi32, #tpu.memory_space<vmem>>, vector<16xi32>,
          %sub3A_265 = vector.broadcast %mul3A_0 : i32 to vector<16xi32>
          %sub3A_266 = arith.subi %get3A_264, %sub3A_265 : vector<16xi32>
          %get3A_267 = arith.index_cast %add3A_263 : i32 to index
          %get3A_268 = tpu.vector_load %arg23[%get3A_267] {strides = array<i32>} : memref<4096xf32, #tpu.memory_space<vmem>>, vector<16xf32>,
          %ge3A = arith.constant 0 : i32
          %ge3A_269 = vector.broadcast %ge3A : i32 to vector<16xi32>
          %ge3A_270 = arith.cmpi sge, %sub3A_266, %ge3A_269 : vector<16xi32>
          %lt3A_271 = arith.constant 16384 : i32
          %lt3A_272 = vector.broadcast %lt3A_271 : i32 to vector<16xi32>
          %lt3A_273 = arith.cmpi slt, %sub3A_266, %lt3A_272 : vector<16xi32>
          %and3A_274 = arith.andi %ge3A_270, %lt3A_273 : vector<16xi1>
          %jit3A_275 = arith.constant 0 : i32
          %broadcast_in_dim3A = vector.broadcast %jit3A_275 : i32 to vector<16xi32>
          %select_n3A_276 = arith.select %and3A_274, %sub3A_266, %broadcast_in_dim3A : vector<16xi1>, vector<16xi32>
          %gather3A = tpu.vector_load_idx %arg12[%select_n3A_276] masked %and3A_274 : memref<16384xf32, #tpu.memory_space<vmem>>[vector<16xi32>], vector<16xf32>, vector<16xi1>
          %mul3A_277 = arith.constant 1.000010e+00 : f32
          %mul3A_278 = vector.broadcast %mul3A_277 : f32 to vector<16xf32>
          %mul3A_279 = arith.mulf %gather3A, %mul3A_278 : vector<16xf32>
          %add3A_280 = arith.constant 9.99999974E-6 : f32
          %add3A_281 = vector.broadcast %add3A_280 : f32 to vector<16xf32>
          %add3A_282 = arith.addf %mul3A_279, %add3A_281 : vector<16xf32>
          %le3A = arith.cmpf ole, %get3A_268, %add3A_282 : vector<16xf32>
          %and3A_283 = arith.andi %and3A_274, %le3A : vector<16xi1>
          %broadcast_in_dim3A_284 = arith.constant 1.000000e+00 : f32
          %broadcast_in_dim3A_285 = vector.broadcast %broadcast_in_dim3A_284 : f32 to vector<16xf32>
          tpu.vector_store_idx %arg13[%select_n3A_276], %broadcast_in_dim3A_285 masked %and3A_283 {add = true} : memref<16384xf32, #tpu.memory_space<vmem>>[vector<16xi32>], vector<16xf32>, vector<16xi1>
          %get3A_286 = arith.index_cast %add3A_263 : i32 to index
          %get3A_287 = tpu.vector_load %arg24[%get3A_286] {strides = array<i32>} : memref<4096xf32, #tpu.memory_space<vmem>>, vector<16xf32>,
          tpu.vector_store_idx %arg14[%select_n3A_276], %get3A_287 masked %and3A_283 {add = true} : memref<16384xf32, #tpu.memory_space<vmem>>[vector<16xi32>], vector<16xf32>, vector<16xi1>
          %get3A_288 = arith.index_cast %add3A_263 : i32 to index
          %get3A_289 = tpu.vector_load %arg25[%get3A_288] {strides = array<i32>} : memref<4096xf32, #tpu.memory_space<vmem>>, vector<16xf32>,
          tpu.vector_store_idx %arg15[%select_n3A_276], %get3A_289 masked %and3A_283 {add = true} : memref<16384xf32, #tpu.memory_space<vmem>>[vector<16xi32>], vector<16xf32>, vector<16xi1>
          %get3A_290 = arith.index_cast %add3A_263 : i32 to index
          %get3A_291 = tpu.vector_load %arg26[%get3A_290] {strides = array<i32>} : memref<4096xf32, #tpu.memory_space<vmem>>, vector<16xf32>,
          tpu.vector_store_idx %arg16[%select_n3A_276], %get3A_291 masked %and3A_283 {add = true} : memref<16384xf32, #tpu.memory_space<vmem>>[vector<16xi32>], vector<16xf32>, vector<16xi1>
        }
        %scan3A_258 = arith.constant 256 : i32
      }
      %while3A_138 = arith.constant 1 : i32
      scf.for %while3A_178 = %while3A_136 to %while3A_132 step %while3A_138  : i32 {
        %mul3A_179 = arith.muli %while3A_178, %while3A_128 : i32
        %add3A_180 = arith.addi %while3A_129, %mul3A_179 : i32
        %mul3A_181 = arith.constant 8192 : i32
        %mul3A_182 = arith.muli %add3A_180, %mul3A_181 : i32
        %add3A_183 = arith.addi %mul3A_6, %mul3A_182 : i32
        %add3A_184 = arith.constant 4096 : i32
        %add3A_185 = arith.addi %add3A_183, %add3A_184 : i32
        %add3A_186 = arith.constant 8192 : i32
        %add3A_187 = arith.addi %add3A_183, %add3A_186 : i32
        %dma_start3A_188 = tpu.memref_slice %arg2[%add3A_26, %add3A_185] : memref<8x262144xi32, #tpu.memory_space<hbm>> -> memref<1x4096xi32, #tpu.memory_space<hbm>>
        %dma_start3A_189 = tpu.memref_squeeze %dma_start3A_188 : memref<1x4096xi32, #tpu.memory_space<hbm>> -> memref<4096xi32, #tpu.memory_space<hbm>>
        %dma_start3A_190 = tpu.memref_slice %arg2[%add3A_26, %add3A_185] : memref<8x262144xi32, #tpu.memory_space<hbm>> -> memref<1x4096xi32, #tpu.memory_space<hbm>>
        %dma_start3A_191 = tpu.memref_squeeze %dma_start3A_190 : memref<1x4096xi32, #tpu.memory_space<hbm>> -> memref<4096xi32, #tpu.memory_space<hbm>>
        tpu.enqueue_dma source(%dma_start3A_191 : memref<4096xi32, #tpu.memory_space<hbm>>) target(%arg22 : memref<4096xi32, #tpu.memory_space<vmem>>) target_semaphore(%arg28 : memref<!tpu.dma_semaphore, #tpu.memory_space<semaphore_mem>>)
        %dma_start3A_192 = tpu.memref_slice %arg3[%add3A_26, %add3A_185] : memref<8x262144xf32, #tpu.memory_space<hbm>> -> memref<1x4096xf32, #tpu.memory_space<hbm>>
        %dma_start3A_193 = tpu.memref_squeeze %dma_start3A_192 : memref<1x4096xf32, #tpu.memory_space<hbm>> -> memref<4096xf32, #tpu.memory_space<hbm>>
        %dma_start3A_194 = tpu.memref_slice %arg3[%add3A_26, %add3A_185] : memref<8x262144xf32, #tpu.memory_space<hbm>> -> memref<1x4096xf32, #tpu.memory_space<hbm>>
        %dma_start3A_195 = tpu.memref_squeeze %dma_start3A_194 : memref<1x4096xf32, #tpu.memory_space<hbm>> -> memref<4096xf32, #tpu.memory_space<hbm>>
        tpu.enqueue_dma source(%dma_start3A_195 : memref<4096xf32, #tpu.memory_space<hbm>>) target(%arg23 : memref<4096xf32, #tpu.memory_space<vmem>>) target_semaphore(%arg28 : memref<!tpu.dma_semaphore, #tpu.memory_space<semaphore_mem>>)
        %dma_start3A_196 = tpu.memref_slice %arg4[%add3A_26, %add3A_185] : memref<8x262144xf32, #tpu.memory_space<hbm>> -> memref<1x4096xf32, #tpu.memory_space<hbm>>
        %dma_start3A_197 = tpu.memref_squeeze %dma_start3A_196 : memref<1x4096xf32, #tpu.memory_space<hbm>> -> memref<4096xf32, #tpu.memory_space<hbm>>
        %dma_start3A_198 = tpu.memref_slice %arg4[%add3A_26, %add3A_185] : memref<8x262144xf32, #tpu.memory_space<hbm>> -> memref<1x4096xf32, #tpu.memory_space<hbm>>
        %dma_start3A_199 = tpu.memref_squeeze %dma_start3A_198 : memref<1x4096xf32, #tpu.memory_space<hbm>> -> memref<4096xf32, #tpu.memory_space<hbm>>
        tpu.enqueue_dma source(%dma_start3A_199 : memref<4096xf32, #tpu.memory_space<hbm>>) target(%arg24 : memref<4096xf32, #tpu.memory_space<vmem>>) target_semaphore(%arg28 : memref<!tpu.dma_semaphore, #tpu.memory_space<semaphore_mem>>)
        %dma_start3A_200 = tpu.memref_slice %arg5[%add3A_26, %add3A_185] : memref<8x262144xf32, #tpu.memory_space<hbm>> -> memref<1x4096xf32, #tpu.memory_space<hbm>>
        %dma_start3A_201 = tpu.memref_squeeze %dma_start3A_200 : memref<1x4096xf32, #tpu.memory_space<hbm>> -> memref<4096xf32, #tpu.memory_space<hbm>>
        %dma_start3A_202 = tpu.memref_slice %arg5[%add3A_26, %add3A_185] : memref<8x262144xf32, #tpu.memory_space<hbm>> -> memref<1x4096xf32, #tpu.memory_space<hbm>>
        %dma_start3A_203 = tpu.memref_squeeze %dma_start3A_202 : memref<1x4096xf32, #tpu.memory_space<hbm>> -> memref<4096xf32, #tpu.memory_space<hbm>>
        tpu.enqueue_dma source(%dma_start3A_203 : memref<4096xf32, #tpu.memory_space<hbm>>) target(%arg25 : memref<4096xf32, #tpu.memory_space<vmem>>) target_semaphore(%arg28 : memref<!tpu.dma_semaphore, #tpu.memory_space<semaphore_mem>>)
        %dma_start3A_204 = tpu.memref_slice %arg6[%add3A_26, %add3A_185] : memref<8x262144xf32, #tpu.memory_space<hbm>> -> memref<1x4096xf32, #tpu.memory_space<hbm>>
        %dma_start3A_205 = tpu.memref_squeeze %dma_start3A_204 : memref<1x4096xf32, #tpu.memory_space<hbm>> -> memref<4096xf32, #tpu.memory_space<hbm>>
        %dma_start3A_206 = tpu.memref_slice %arg6[%add3A_26, %add3A_185] : memref<8x262144xf32, #tpu.memory_space<hbm>> -> memref<1x4096xf32, #tpu.memory_space<hbm>>
        %dma_start3A_207 = tpu.memref_squeeze %dma_start3A_206 : memref<1x4096xf32, #tpu.memory_space<hbm>> -> memref<4096xf32, #tpu.memory_space<hbm>>
        tpu.enqueue_dma source(%dma_start3A_207 : memref<4096xf32, #tpu.memory_space<hbm>>) target(%arg26 : memref<4096xf32, #tpu.memory_space<vmem>>) target_semaphore(%arg28 : memref<!tpu.dma_semaphore, #tpu.memory_space<semaphore_mem>>)
        %dma_wait3A_208 = tpu.memref_slice %arg2[%add3A_26, %add3A_183] : memref<8x262144xi32, #tpu.memory_space<hbm>> -> memref<1x4096xi32, #tpu.memory_space<hbm>>
        %dma_wait3A_209 = tpu.memref_squeeze %dma_wait3A_208 : memref<1x4096xi32, #tpu.memory_space<hbm>> -> memref<4096xi32, #tpu.memory_space<hbm>>
        %dma_wait3A_210 = tpu.memref_slice %arg2[%add3A_26, %add3A_183] : memref<8x262144xi32, #tpu.memory_space<hbm>> -> memref<1x4096xi32, #tpu.memory_space<hbm>>
        %dma_wait3A_211 = tpu.memref_squeeze %dma_wait3A_210 : memref<1x4096xi32, #tpu.memory_space<hbm>> -> memref<4096xi32, #tpu.memory_space<hbm>>
        tpu.wait_dma2 semaphore(%arg27 : memref<!tpu.dma_semaphore, #tpu.memory_space<semaphore_mem>>) src(%dma_wait3A_211 : memref<4096xi32, #tpu.memory_space<hbm>>) dst(%arg17 : memref<4096xi32, #tpu.memory_space<vmem>>)
        %dma_wait3A_212 = tpu.memref_slice %arg3[%add3A_26, %add3A_183] : memref<8x262144xf32, #tpu.memory_space<hbm>> -> memref<1x4096xf32, #tpu.memory_space<hbm>>
        %dma_wait3A_213 = tpu.memref_squeeze %dma_wait3A_212 : memref<1x4096xf32, #tpu.memory_space<hbm>> -> memref<4096xf32, #tpu.memory_space<hbm>>
        %dma_wait3A_214 = tpu.memref_slice %arg3[%add3A_26, %add3A_183] : memref<8x262144xf32, #tpu.memory_space<hbm>> -> memref<1x4096xf32, #tpu.memory_space<hbm>>
        %dma_wait3A_215 = tpu.memref_squeeze %dma_wait3A_214 : memref<1x4096xf32, #tpu.memory_space<hbm>> -> memref<4096xf32, #tpu.memory_space<hbm>>
        tpu.wait_dma2 semaphore(%arg27 : memref<!tpu.dma_semaphore, #tpu.memory_space<semaphore_mem>>) src(%dma_wait3A_215 : memref<4096xf32, #tpu.memory_space<hbm>>) dst(%arg18 : memref<4096xf32, #tpu.memory_space<vmem>>)
        %dma_wait3A_216 = tpu.memref_slice %arg4[%add3A_26, %add3A_183] : memref<8x262144xf32, #tpu.memory_space<hbm>> -> memref<1x4096xf32, #tpu.memory_space<hbm>>
        %dma_wait3A_217 = tpu.memref_squeeze %dma_wait3A_216 : memref<1x4096xf32, #tpu.memory_space<hbm>> -> memref<4096xf32, #tpu.memory_space<hbm>>
        %dma_wait3A_218 = tpu.memref_slice %arg4[%add3A_26, %add3A_183] : memref<8x262144xf32, #tpu.memory_space<hbm>> -> memref<1x4096xf32, #tpu.memory_space<hbm>>
        %dma_wait3A_219 = tpu.memref_squeeze %dma_wait3A_218 : memref<1x4096xf32, #tpu.memory_space<hbm>> -> memref<4096xf32, #tpu.memory_space<hbm>>
        tpu.wait_dma2 semaphore(%arg27 : memref<!tpu.dma_semaphore, #tpu.memory_space<semaphore_mem>>) src(%dma_wait3A_219 : memref<4096xf32, #tpu.memory_space<hbm>>) dst(%arg19 : memref<4096xf32, #tpu.memory_space<vmem>>)
        %dma_wait3A_220 = tpu.memref_slice %arg5[%add3A_26, %add3A_183] : memref<8x262144xf32, #tpu.memory_space<hbm>> -> memref<1x4096xf32, #tpu.memory_space<hbm>>
        %dma_wait3A_221 = tpu.memref_squeeze %dma_wait3A_220 : memref<1x4096xf32, #tpu.memory_space<hbm>> -> memref<4096xf32, #tpu.memory_space<hbm>>
        %dma_wait3A_222 = tpu.memref_slice %arg5[%add3A_26, %add3A_183] : memref<8x262144xf32, #tpu.memory_space<hbm>> -> memref<1x4096xf32, #tpu.memory_space<hbm>>
        %dma_wait3A_223 = tpu.memref_squeeze %dma_wait3A_222 : memref<1x4096xf32, #tpu.memory_space<hbm>> -> memref<4096xf32, #tpu.memory_space<hbm>>
        tpu.wait_dma2 semaphore(%arg27 : memref<!tpu.dma_semaphore, #tpu.memory_space<semaphore_mem>>) src(%dma_wait3A_223 : memref<4096xf32, #tpu.memory_space<hbm>>) dst(%arg20 : memref<4096xf32, #tpu.memory_space<vmem>>)
        %dma_wait3A_224 = tpu.memref_slice %arg6[%add3A_26, %add3A_183] : memref<8x262144xf32, #tpu.memory_space<hbm>> -> memref<1x4096xf32, #tpu.memory_space<hbm>>
        %dma_wait3A_225 = tpu.memref_squeeze %dma_wait3A_224 : memref<1x4096xf32, #tpu.memory_space<hbm>> -> memref<4096xf32, #tpu.memory_space<hbm>>
        %dma_wait3A_226 = tpu.memref_slice %arg6[%add3A_26, %add3A_183] : memref<8x262144xf32, #tpu.memory_space<hbm>> -> memref<1x4096xf32, #tpu.memory_space<hbm>>
        %dma_wait3A_227 = tpu.memref_squeeze %dma_wait3A_226 : memref<1x4096xf32, #tpu.memory_space<hbm>> -> memref<4096xf32, #tpu.memory_space<hbm>>
        tpu.wait_dma2 semaphore(%arg27 : memref<!tpu.dma_semaphore, #tpu.memory_space<semaphore_mem>>) src(%dma_wait3A_227 : memref<4096xf32, #tpu.memory_space<hbm>>) dst(%arg21 : memref<4096xf32, #tpu.memory_space<vmem>>)
        %scan3A_228 = arith.constant 0 : i32
        %scan3A_229 = arith.constant 256 : i32
        %scan3A_230 = arith.addi %scan3A_228, %scan3A_229 : i32
        %scan3A_231 = arith.constant 1 : i32
        scf.for %scan3A_259 = %scan3A_228 to %scan3A_230 step %scan3A_231  : i32 {
          %mul3A_260 = arith.constant 16 : i32
          %mul3A_261 = arith.muli %scan3A_259, %mul3A_260 : i32
          %add3A_262 = arith.constant 0 : i32
          %add3A_263 = arith.addi %add3A_262, %mul3A_261 : i32
          %get3A = arith.index_cast %add3A_263 : i32 to index
          %get3A_264 = tpu.vector_load %arg17[%get3A] {strides = array<i32>} : memref<4096xi32, #tpu.memory_space<vmem>>, vector<16xi32>,
          %sub3A_265 = vector.broadcast %mul3A_0 : i32 to vector<16xi32>
          %sub3A_266 = arith.subi %get3A_264, %sub3A_265 : vector<16xi32>
          %get3A_267 = arith.index_cast %add3A_263 : i32 to index
          %get3A_268 = tpu.vector_load %arg18[%get3A_267] {strides = array<i32>} : memref<4096xf32, #tpu.memory_space<vmem>>, vector<16xf32>,
          %ge3A = arith.constant 0 : i32
          %ge3A_269 = vector.broadcast %ge3A : i32 to vector<16xi32>
          %ge3A_270 = arith.cmpi sge, %sub3A_266, %ge3A_269 : vector<16xi32>
          %lt3A_271 = arith.constant 16384 : i32
          %lt3A_272 = vector.broadcast %lt3A_271 : i32 to vector<16xi32>
          %lt3A_273 = arith.cmpi slt, %sub3A_266, %lt3A_272 : vector<16xi32>
          %and3A_274 = arith.andi %ge3A_270, %lt3A_273 : vector<16xi1>
          %jit3A_275 = arith.constant 0 : i32
          %broadcast_in_dim3A = vector.broadcast %jit3A_275 : i32 to vector<16xi32>
          %select_n3A_276 = arith.select %and3A_274, %sub3A_266, %broadcast_in_dim3A : vector<16xi1>, vector<16xi32>
          %gather3A = tpu.vector_load_idx %arg12[%select_n3A_276] masked %and3A_274 : memref<16384xf32, #tpu.memory_space<vmem>>[vector<16xi32>], vector<16xf32>, vector<16xi1>
          %mul3A_277 = arith.constant 1.000010e+00 : f32
          %mul3A_278 = vector.broadcast %mul3A_277 : f32 to vector<16xf32>
          %mul3A_279 = arith.mulf %gather3A, %mul3A_278 : vector<16xf32>
          %add3A_280 = arith.constant 9.99999974E-6 : f32
          %add3A_281 = vector.broadcast %add3A_280 : f32 to vector<16xf32>
          %add3A_282 = arith.addf %mul3A_279, %add3A_281 : vector<16xf32>
          %le3A = arith.cmpf ole, %get3A_268, %add3A_282 : vector<16xf32>
          %and3A_283 = arith.andi %and3A_274, %le3A : vector<16xi1>
          %broadcast_in_dim3A_284 = arith.constant 1.000000e+00 : f32
          %broadcast_in_dim3A_285 = vector.broadcast %broadcast_in_dim3A_284 : f32 to vector<16xf32>
          tpu.vector_store_idx %arg13[%select_n3A_276], %broadcast_in_dim3A_285 masked %and3A_283 {add = true} : memref<16384xf32, #tpu.memory_space<vmem>>[vector<16xi32>], vector<16xf32>, vector<16xi1>
          %get3A_286 = arith.index_cast %add3A_263 : i32 to index
          %get3A_287 = tpu.vector_load %arg19[%get3A_286] {strides = array<i32>} : memref<4096xf32, #tpu.memory_space<vmem>>, vector<16xf32>,
          tpu.vector_store_idx %arg14[%select_n3A_276], %get3A_287 masked %and3A_283 {add = true} : memref<16384xf32, #tpu.memory_space<vmem>>[vector<16xi32>], vector<16xf32>, vector<16xi1>
          %get3A_288 = arith.index_cast %add3A_263 : i32 to index
          %get3A_289 = tpu.vector_load %arg20[%get3A_288] {strides = array<i32>} : memref<4096xf32, #tpu.memory_space<vmem>>, vector<16xf32>,
          tpu.vector_store_idx %arg15[%select_n3A_276], %get3A_289 masked %and3A_283 {add = true} : memref<16384xf32, #tpu.memory_space<vmem>>[vector<16xi32>], vector<16xf32>, vector<16xi1>
          %get3A_290 = arith.index_cast %add3A_263 : i32 to index
          %get3A_291 = tpu.vector_load %arg21[%get3A_290] {strides = array<i32>} : memref<4096xf32, #tpu.memory_space<vmem>>, vector<16xf32>,
          tpu.vector_store_idx %arg16[%select_n3A_276], %get3A_291 masked %and3A_283 {add = true} : memref<16384xf32, #tpu.memory_space<vmem>>[vector<16xi32>], vector<16xf32>, vector<16xi1>
        }
        %scan3A_232 = arith.constant 256 : i32
        %lt3A = arith.cmpi slt, %add3A_187, %mul3A_14 : i32
        %convert_element_type3A = arith.extui %lt3A : i1 to i32
        %cond3A = arith.constant 0 : i32
        %cond3A_233 = arith.cmpi ne, %convert_element_type3A, %cond3A : i32
        scf.if %cond3A_233 {
          %dma_start3A_259 = tpu.memref_slice %arg2[%add3A_26, %add3A_187] : memref<8x262144xi32, #tpu.memory_space<hbm>> -> memref<1x4096xi32, #tpu.memory_space<hbm>>
          %dma_start3A_260 = tpu.memref_squeeze %dma_start3A_259 : memref<1x4096xi32, #tpu.memory_space<hbm>> -> memref<4096xi32, #tpu.memory_space<hbm>>
          %dma_start3A_261 = tpu.memref_slice %arg2[%add3A_26, %add3A_187] : memref<8x262144xi32, #tpu.memory_space<hbm>> -> memref<1x4096xi32, #tpu.memory_space<hbm>>
          %dma_start3A_262 = tpu.memref_squeeze %dma_start3A_261 : memref<1x4096xi32, #tpu.memory_space<hbm>> -> memref<4096xi32, #tpu.memory_space<hbm>>
          tpu.enqueue_dma source(%dma_start3A_262 : memref<4096xi32, #tpu.memory_space<hbm>>) target(%arg17 : memref<4096xi32, #tpu.memory_space<vmem>>) target_semaphore(%arg27 : memref<!tpu.dma_semaphore, #tpu.memory_space<semaphore_mem>>)
          %dma_start3A_263 = tpu.memref_slice %arg3[%add3A_26, %add3A_187] : memref<8x262144xf32, #tpu.memory_space<hbm>> -> memref<1x4096xf32, #tpu.memory_space<hbm>>
          %dma_start3A_264 = tpu.memref_squeeze %dma_start3A_263 : memref<1x4096xf32, #tpu.memory_space<hbm>> -> memref<4096xf32, #tpu.memory_space<hbm>>
          %dma_start3A_265 = tpu.memref_slice %arg3[%add3A_26, %add3A_187] : memref<8x262144xf32, #tpu.memory_space<hbm>> -> memref<1x4096xf32, #tpu.memory_space<hbm>>
          %dma_start3A_266 = tpu.memref_squeeze %dma_start3A_265 : memref<1x4096xf32, #tpu.memory_space<hbm>> -> memref<4096xf32, #tpu.memory_space<hbm>>
          tpu.enqueue_dma source(%dma_start3A_266 : memref<4096xf32, #tpu.memory_space<hbm>>) target(%arg18 : memref<4096xf32, #tpu.memory_space<vmem>>) target_semaphore(%arg27 : memref<!tpu.dma_semaphore, #tpu.memory_space<semaphore_mem>>)
          %dma_start3A_267 = tpu.memref_slice %arg4[%add3A_26, %add3A_187] : memref<8x262144xf32, #tpu.memory_space<hbm>> -> memref<1x4096xf32, #tpu.memory_space<hbm>>
          %dma_start3A_268 = tpu.memref_squeeze %dma_start3A_267 : memref<1x4096xf32, #tpu.memory_space<hbm>> -> memref<4096xf32, #tpu.memory_space<hbm>>
          %dma_start3A_269 = tpu.memref_slice %arg4[%add3A_26, %add3A_187] : memref<8x262144xf32, #tpu.memory_space<hbm>> -> memref<1x4096xf32, #tpu.memory_space<hbm>>
          %dma_start3A_270 = tpu.memref_squeeze %dma_start3A_269 : memref<1x4096xf32, #tpu.memory_space<hbm>> -> memref<4096xf32, #tpu.memory_space<hbm>>
          tpu.enqueue_dma source(%dma_start3A_270 : memref<4096xf32, #tpu.memory_space<hbm>>) target(%arg19 : memref<4096xf32, #tpu.memory_space<vmem>>) target_semaphore(%arg27 : memref<!tpu.dma_semaphore, #tpu.memory_space<semaphore_mem>>)
          %dma_start3A_271 = tpu.memref_slice %arg5[%add3A_26, %add3A_187] : memref<8x262144xf32, #tpu.memory_space<hbm>> -> memref<1x4096xf32, #tpu.memory_space<hbm>>
          %dma_start3A_272 = tpu.memref_squeeze %dma_start3A_271 : memref<1x4096xf32, #tpu.memory_space<hbm>> -> memref<4096xf32, #tpu.memory_space<hbm>>
          %dma_start3A_273 = tpu.memref_slice %arg5[%add3A_26, %add3A_187] : memref<8x262144xf32, #tpu.memory_space<hbm>> -> memref<1x4096xf32, #tpu.memory_space<hbm>>
          %dma_start3A_274 = tpu.memref_squeeze %dma_start3A_273 : memref<1x4096xf32, #tpu.memory_space<hbm>> -> memref<4096xf32, #tpu.memory_space<hbm>>
          tpu.enqueue_dma source(%dma_start3A_274 : memref<4096xf32, #tpu.memory_space<hbm>>) target(%arg20 : memref<4096xf32, #tpu.memory_space<vmem>>) target_semaphore(%arg27 : memref<!tpu.dma_semaphore, #tpu.memory_space<semaphore_mem>>)
          %dma_start3A_275 = tpu.memref_slice %arg6[%add3A_26, %add3A_187] : memref<8x262144xf32, #tpu.memory_space<hbm>> -> memref<1x4096xf32, #tpu.memory_space<hbm>>
          %dma_start3A_276 = tpu.memref_squeeze %dma_start3A_275 : memref<1x4096xf32, #tpu.memory_space<hbm>> -> memref<4096xf32, #tpu.memory_space<hbm>>
          %dma_start3A_277 = tpu.memref_slice %arg6[%add3A_26, %add3A_187] : memref<8x262144xf32, #tpu.memory_space<hbm>> -> memref<1x4096xf32, #tpu.memory_space<hbm>>
          %dma_start3A_278 = tpu.memref_squeeze %dma_start3A_277 : memref<1x4096xf32, #tpu.memory_space<hbm>> -> memref<4096xf32, #tpu.memory_space<hbm>>
          tpu.enqueue_dma source(%dma_start3A_278 : memref<4096xf32, #tpu.memory_space<hbm>>) target(%arg21 : memref<4096xf32, #tpu.memory_space<vmem>>) target_semaphore(%arg27 : memref<!tpu.dma_semaphore, #tpu.memory_space<semaphore_mem>>)
        } else {
        }
        %dma_wait3A_234 = tpu.memref_slice %arg2[%add3A_26, %add3A_185] : memref<8x262144xi32, #tpu.memory_space<hbm>> -> memref<1x4096xi32, #tpu.memory_space<hbm>>
        %dma_wait3A_235 = tpu.memref_squeeze %dma_wait3A_234 : memref<1x4096xi32, #tpu.memory_space<hbm>> -> memref<4096xi32, #tpu.memory_space<hbm>>
        %dma_wait3A_236 = tpu.memref_slice %arg2[%add3A_26, %add3A_185] : memref<8x262144xi32, #tpu.memory_space<hbm>> -> memref<1x4096xi32, #tpu.memory_space<hbm>>
        %dma_wait3A_237 = tpu.memref_squeeze %dma_wait3A_236 : memref<1x4096xi32, #tpu.memory_space<hbm>> -> memref<4096xi32, #tpu.memory_space<hbm>>
        tpu.wait_dma2 semaphore(%arg28 : memref<!tpu.dma_semaphore, #tpu.memory_space<semaphore_mem>>) src(%dma_wait3A_237 : memref<4096xi32, #tpu.memory_space<hbm>>) dst(%arg22 : memref<4096xi32, #tpu.memory_space<vmem>>)
        %dma_wait3A_238 = tpu.memref_slice %arg3[%add3A_26, %add3A_185] : memref<8x262144xf32, #tpu.memory_space<hbm>> -> memref<1x4096xf32, #tpu.memory_space<hbm>>
        %dma_wait3A_239 = tpu.memref_squeeze %dma_wait3A_238 : memref<1x4096xf32, #tpu.memory_space<hbm>> -> memref<4096xf32, #tpu.memory_space<hbm>>
        %dma_wait3A_240 = tpu.memref_slice %arg3[%add3A_26, %add3A_185] : memref<8x262144xf32, #tpu.memory_space<hbm>> -> memref<1x4096xf32, #tpu.memory_space<hbm>>
        %dma_wait3A_241 = tpu.memref_squeeze %dma_wait3A_240 : memref<1x4096xf32, #tpu.memory_space<hbm>> -> memref<4096xf32, #tpu.memory_space<hbm>>
        tpu.wait_dma2 semaphore(%arg28 : memref<!tpu.dma_semaphore, #tpu.memory_space<semaphore_mem>>) src(%dma_wait3A_241 : memref<4096xf32, #tpu.memory_space<hbm>>) dst(%arg23 : memref<4096xf32, #tpu.memory_space<vmem>>)
        %dma_wait3A_242 = tpu.memref_slice %arg4[%add3A_26, %add3A_185] : memref<8x262144xf32, #tpu.memory_space<hbm>> -> memref<1x4096xf32, #tpu.memory_space<hbm>>
        %dma_wait3A_243 = tpu.memref_squeeze %dma_wait3A_242 : memref<1x4096xf32, #tpu.memory_space<hbm>> -> memref<4096xf32, #tpu.memory_space<hbm>>
        %dma_wait3A_244 = tpu.memref_slice %arg4[%add3A_26, %add3A_185] : memref<8x262144xf32, #tpu.memory_space<hbm>> -> memref<1x4096xf32, #tpu.memory_space<hbm>>
        %dma_wait3A_245 = tpu.memref_squeeze %dma_wait3A_244 : memref<1x4096xf32, #tpu.memory_space<hbm>> -> memref<4096xf32, #tpu.memory_space<hbm>>
        tpu.wait_dma2 semaphore(%arg28 : memref<!tpu.dma_semaphore, #tpu.memory_space<semaphore_mem>>) src(%dma_wait3A_245 : memref<4096xf32, #tpu.memory_space<hbm>>) dst(%arg24 : memref<4096xf32, #tpu.memory_space<vmem>>)
        %dma_wait3A_246 = tpu.memref_slice %arg5[%add3A_26, %add3A_185] : memref<8x262144xf32, #tpu.memory_space<hbm>> -> memref<1x4096xf32, #tpu.memory_space<hbm>>
        %dma_wait3A_247 = tpu.memref_squeeze %dma_wait3A_246 : memref<1x4096xf32, #tpu.memory_space<hbm>> -> memref<4096xf32, #tpu.memory_space<hbm>>
        %dma_wait3A_248 = tpu.memref_slice %arg5[%add3A_26, %add3A_185] : memref<8x262144xf32, #tpu.memory_space<hbm>> -> memref<1x4096xf32, #tpu.memory_space<hbm>>
        %dma_wait3A_249 = tpu.memref_squeeze %dma_wait3A_248 : memref<1x4096xf32, #tpu.memory_space<hbm>> -> memref<4096xf32, #tpu.memory_space<hbm>>
        tpu.wait_dma2 semaphore(%arg28 : memref<!tpu.dma_semaphore, #tpu.memory_space<semaphore_mem>>) src(%dma_wait3A_249 : memref<4096xf32, #tpu.memory_space<hbm>>) dst(%arg25 : memref<4096xf32, #tpu.memory_space<vmem>>)
        %dma_wait3A_250 = tpu.memref_slice %arg6[%add3A_26, %add3A_185] : memref<8x262144xf32, #tpu.memory_space<hbm>> -> memref<1x4096xf32, #tpu.memory_space<hbm>>
        %dma_wait3A_251 = tpu.memref_squeeze %dma_wait3A_250 : memref<1x4096xf32, #tpu.memory_space<hbm>> -> memref<4096xf32, #tpu.memory_space<hbm>>
        %dma_wait3A_252 = tpu.memref_slice %arg6[%add3A_26, %add3A_185] : memref<8x262144xf32, #tpu.memory_space<hbm>> -> memref<1x4096xf32, #tpu.memory_space<hbm>>
        %dma_wait3A_253 = tpu.memref_squeeze %dma_wait3A_252 : memref<1x4096xf32, #tpu.memory_space<hbm>> -> memref<4096xf32, #tpu.memory_space<hbm>>
        tpu.wait_dma2 semaphore(%arg28 : memref<!tpu.dma_semaphore, #tpu.memory_space<semaphore_mem>>) src(%dma_wait3A_253 : memref<4096xf32, #tpu.memory_space<hbm>>) dst(%arg26 : memref<4096xf32, #tpu.memory_space<vmem>>)
        %scan3A_254 = arith.constant 0 : i32
        %scan3A_255 = arith.constant 256 : i32
        %scan3A_256 = arith.addi %scan3A_254, %scan3A_255 : i32
        %scan3A_257 = arith.constant 1 : i32
        scf.for %scan3A_259 = %scan3A_254 to %scan3A_256 step %scan3A_257  : i32 {
          %mul3A_260 = arith.constant 16 : i32
          %mul3A_261 = arith.muli %scan3A_259, %mul3A_260 : i32
          %add3A_262 = arith.constant 0 : i32
          %add3A_263 = arith.addi %add3A_262, %mul3A_261 : i32
          %get3A = arith.index_cast %add3A_263 : i32 to index
          %get3A_264 = tpu.vector_load %arg22[%get3A] {strides = array<i32>} : memref<4096xi32, #tpu.memory_space<vmem>>, vector<16xi32>,
          %sub3A_265 = vector.broadcast %mul3A_0 : i32 to vector<16xi32>
          %sub3A_266 = arith.subi %get3A_264, %sub3A_265 : vector<16xi32>
          %get3A_267 = arith.index_cast %add3A_263 : i32 to index
          %get3A_268 = tpu.vector_load %arg23[%get3A_267] {strides = array<i32>} : memref<4096xf32, #tpu.memory_space<vmem>>, vector<16xf32>,
          %ge3A = arith.constant 0 : i32
          %ge3A_269 = vector.broadcast %ge3A : i32 to vector<16xi32>
          %ge3A_270 = arith.cmpi sge, %sub3A_266, %ge3A_269 : vector<16xi32>
          %lt3A_271 = arith.constant 16384 : i32
          %lt3A_272 = vector.broadcast %lt3A_271 : i32 to vector<16xi32>
          %lt3A_273 = arith.cmpi slt, %sub3A_266, %lt3A_272 : vector<16xi32>
          %and3A_274 = arith.andi %ge3A_270, %lt3A_273 : vector<16xi1>
          %jit3A_275 = arith.constant 0 : i32
          %broadcast_in_dim3A = vector.broadcast %jit3A_275 : i32 to vector<16xi32>
          %select_n3A_276 = arith.select %and3A_274, %sub3A_266, %broadcast_in_dim3A : vector<16xi1>, vector<16xi32>
          %gather3A = tpu.vector_load_idx %arg12[%select_n3A_276] masked %and3A_274 : memref<16384xf32, #tpu.memory_space<vmem>>[vector<16xi32>], vector<16xf32>, vector<16xi1>
          %mul3A_277 = arith.constant 1.000010e+00 : f32
          %mul3A_278 = vector.broadcast %mul3A_277 : f32 to vector<16xf32>
          %mul3A_279 = arith.mulf %gather3A, %mul3A_278 : vector<16xf32>
          %add3A_280 = arith.constant 9.99999974E-6 : f32
          %add3A_281 = vector.broadcast %add3A_280 : f32 to vector<16xf32>
          %add3A_282 = arith.addf %mul3A_279, %add3A_281 : vector<16xf32>
          %le3A = arith.cmpf ole, %get3A_268, %add3A_282 : vector<16xf32>
          %and3A_283 = arith.andi %and3A_274, %le3A : vector<16xi1>
          %broadcast_in_dim3A_284 = arith.constant 1.000000e+00 : f32
          %broadcast_in_dim3A_285 = vector.broadcast %broadcast_in_dim3A_284 : f32 to vector<16xf32>
          tpu.vector_store_idx %arg13[%select_n3A_276], %broadcast_in_dim3A_285 masked %and3A_283 {add = true} : memref<16384xf32, #tpu.memory_space<vmem>>[vector<16xi32>], vector<16xf32>, vector<16xi1>
          %get3A_286 = arith.index_cast %add3A_263 : i32 to index
          %get3A_287 = tpu.vector_load %arg24[%get3A_286] {strides = array<i32>} : memref<4096xf32, #tpu.memory_space<vmem>>, vector<16xf32>,
          tpu.vector_store_idx %arg14[%select_n3A_276], %get3A_287 masked %and3A_283 {add = true} : memref<16384xf32, #tpu.memory_space<vmem>>[vector<16xi32>], vector<16xf32>, vector<16xi1>
          %get3A_288 = arith.index_cast %add3A_263 : i32 to index
          %get3A_289 = tpu.vector_load %arg25[%get3A_288] {strides = array<i32>} : memref<4096xf32, #tpu.memory_space<vmem>>, vector<16xf32>,
          tpu.vector_store_idx %arg15[%select_n3A_276], %get3A_289 masked %and3A_283 {add = true} : memref<16384xf32, #tpu.memory_space<vmem>>[vector<16xi32>], vector<16xf32>, vector<16xi1>
          %get3A_290 = arith.index_cast %add3A_263 : i32 to index
          %get3A_291 = tpu.vector_load %arg26[%get3A_290] {strides = array<i32>} : memref<4096xf32, #tpu.memory_space<vmem>>, vector<16xf32>,
          tpu.vector_store_idx %arg16[%select_n3A_276], %get3A_291 masked %and3A_283 {add = true} : memref<16384xf32, #tpu.memory_space<vmem>>[vector<16xi32>], vector<16xf32>, vector<16xi1>
        }
        %scan3A_258 = arith.constant 256 : i32
      }
      %dma_start3A_139 = tpu.memref_slice %arg7[%add3A_26, %mul3A_0] : memref<8x262144xf32, #tpu.memory_space<hbm>> -> memref<1x16384xf32, #tpu.memory_space<hbm>>
      %dma_start3A_140 = tpu.memref_squeeze %dma_start3A_139 : memref<1x16384xf32, #tpu.memory_space<hbm>> -> memref<16384xf32, #tpu.memory_space<hbm>>
      %dma_start3A_141 = tpu.memref_slice %arg7[%add3A_26, %mul3A_0] : memref<8x262144xf32, #tpu.memory_space<hbm>> -> memref<1x16384xf32, #tpu.memory_space<hbm>>
      %dma_start3A_142 = tpu.memref_squeeze %dma_start3A_141 : memref<1x16384xf32, #tpu.memory_space<hbm>> -> memref<16384xf32, #tpu.memory_space<hbm>>
      tpu.enqueue_dma source(%arg14 : memref<16384xf32, #tpu.memory_space<vmem>>) target(%dma_start3A_142 : memref<16384xf32, #tpu.memory_space<hbm>>) target_semaphore(%arg29 : memref<!tpu.dma_semaphore, #tpu.memory_space<semaphore_mem>>)
      %dma_start3A_143 = tpu.memref_slice %arg8[%add3A_26, %mul3A_0] : memref<8x262144xf32, #tpu.memory_space<hbm>> -> memref<1x16384xf32, #tpu.memory_space<hbm>>
      %dma_start3A_144 = tpu.memref_squeeze %dma_start3A_143 : memref<1x16384xf32, #tpu.memory_space<hbm>> -> memref<16384xf32, #tpu.memory_space<hbm>>
      %dma_start3A_145 = tpu.memref_slice %arg8[%add3A_26, %mul3A_0] : memref<8x262144xf32, #tpu.memory_space<hbm>> -> memref<1x16384xf32, #tpu.memory_space<hbm>>
      %dma_start3A_146 = tpu.memref_squeeze %dma_start3A_145 : memref<1x16384xf32, #tpu.memory_space<hbm>> -> memref<16384xf32, #tpu.memory_space<hbm>>
      tpu.enqueue_dma source(%arg15 : memref<16384xf32, #tpu.memory_space<vmem>>) target(%dma_start3A_146 : memref<16384xf32, #tpu.memory_space<hbm>>) target_semaphore(%arg29 : memref<!tpu.dma_semaphore, #tpu.memory_space<semaphore_mem>>)
      %dma_start3A_147 = tpu.memref_slice %arg9[%add3A_26, %mul3A_0] : memref<8x262144xf32, #tpu.memory_space<hbm>> -> memref<1x16384xf32, #tpu.memory_space<hbm>>
      %dma_start3A_148 = tpu.memref_squeeze %dma_start3A_147 : memref<1x16384xf32, #tpu.memory_space<hbm>> -> memref<16384xf32, #tpu.memory_space<hbm>>
      %dma_start3A_149 = tpu.memref_slice %arg9[%add3A_26, %mul3A_0] : memref<8x262144xf32, #tpu.memory_space<hbm>> -> memref<1x16384xf32, #tpu.memory_space<hbm>>
      %dma_start3A_150 = tpu.memref_squeeze %dma_start3A_149 : memref<1x16384xf32, #tpu.memory_space<hbm>> -> memref<16384xf32, #tpu.memory_space<hbm>>
      tpu.enqueue_dma source(%arg16 : memref<16384xf32, #tpu.memory_space<vmem>>) target(%dma_start3A_150 : memref<16384xf32, #tpu.memory_space<hbm>>) target_semaphore(%arg29 : memref<!tpu.dma_semaphore, #tpu.memory_space<semaphore_mem>>)
      %dma_start3A_151 = tpu.memref_slice %arg10[%add3A_26, %mul3A_0] : memref<8x262144xf32, #tpu.memory_space<hbm>> -> memref<1x16384xf32, #tpu.memory_space<hbm>>
      %dma_start3A_152 = tpu.memref_squeeze %dma_start3A_151 : memref<1x16384xf32, #tpu.memory_space<hbm>> -> memref<16384xf32, #tpu.memory_space<hbm>>
      %dma_start3A_153 = tpu.memref_slice %arg10[%add3A_26, %mul3A_0] : memref<8x262144xf32, #tpu.memory_space<hbm>> -> memref<1x16384xf32, #tpu.memory_space<hbm>>
      %dma_start3A_154 = tpu.memref_squeeze %dma_start3A_153 : memref<1x16384xf32, #tpu.memory_space<hbm>> -> memref<16384xf32, #tpu.memory_space<hbm>>
      tpu.enqueue_dma source(%arg13 : memref<16384xf32, #tpu.memory_space<vmem>>) target(%dma_start3A_154 : memref<16384xf32, #tpu.memory_space<hbm>>) target_semaphore(%arg29 : memref<!tpu.dma_semaphore, #tpu.memory_space<semaphore_mem>>)
      %dma_start3A_155 = tpu.memref_slice %arg11[%add3A_26, %mul3A_0] : memref<8x262144xf32, #tpu.memory_space<hbm>> -> memref<1x16384xf32, #tpu.memory_space<hbm>>
      %dma_start3A_156 = tpu.memref_squeeze %dma_start3A_155 : memref<1x16384xf32, #tpu.memory_space<hbm>> -> memref<16384xf32, #tpu.memory_space<hbm>>
      %dma_start3A_157 = tpu.memref_slice %arg11[%add3A_26, %mul3A_0] : memref<8x262144xf32, #tpu.memory_space<hbm>> -> memref<1x16384xf32, #tpu.memory_space<hbm>>
      %dma_start3A_158 = tpu.memref_squeeze %dma_start3A_157 : memref<1x16384xf32, #tpu.memory_space<hbm>> -> memref<16384xf32, #tpu.memory_space<hbm>>
      tpu.enqueue_dma source(%arg12 : memref<16384xf32, #tpu.memory_space<vmem>>) target(%dma_start3A_158 : memref<16384xf32, #tpu.memory_space<hbm>>) target_semaphore(%arg29 : memref<!tpu.dma_semaphore, #tpu.memory_space<semaphore_mem>>)
      %dma_wait3A = tpu.memref_slice %arg7[%add3A_26, %mul3A_0] : memref<8x262144xf32, #tpu.memory_space<hbm>> -> memref<1x16384xf32, #tpu.memory_space<hbm>>
      %dma_wait3A_159 = tpu.memref_squeeze %dma_wait3A : memref<1x16384xf32, #tpu.memory_space<hbm>> -> memref<16384xf32, #tpu.memory_space<hbm>>
      %dma_wait3A_160 = tpu.memref_slice %arg7[%add3A_26, %mul3A_0] : memref<8x262144xf32, #tpu.memory_space<hbm>> -> memref<1x16384xf32, #tpu.memory_space<hbm>>
      %dma_wait3A_161 = tpu.memref_squeeze %dma_wait3A_160 : memref<1x16384xf32, #tpu.memory_space<hbm>> -> memref<16384xf32, #tpu.memory_space<hbm>>
      tpu.wait_dma2 semaphore(%arg29 : memref<!tpu.dma_semaphore, #tpu.memory_space<semaphore_mem>>) src(%arg14 : memref<16384xf32, #tpu.memory_space<vmem>>) dst(%dma_wait3A_161 : memref<16384xf32, #tpu.memory_space<hbm>>)
      %dma_wait3A_162 = tpu.memref_slice %arg8[%add3A_26, %mul3A_0] : memref<8x262144xf32, #tpu.memory_space<hbm>> -> memref<1x16384xf32, #tpu.memory_space<hbm>>
      %dma_wait3A_163 = tpu.memref_squeeze %dma_wait3A_162 : memref<1x16384xf32, #tpu.memory_space<hbm>> -> memref<16384xf32, #tpu.memory_space<hbm>>
      %dma_wait3A_164 = tpu.memref_slice %arg8[%add3A_26, %mul3A_0] : memref<8x262144xf32, #tpu.memory_space<hbm>> -> memref<1x16384xf32, #tpu.memory_space<hbm>>
      %dma_wait3A_165 = tpu.memref_squeeze %dma_wait3A_164 : memref<1x16384xf32, #tpu.memory_space<hbm>> -> memref<16384xf32, #tpu.memory_space<hbm>>
      tpu.wait_dma2 semaphore(%arg29 : memref<!tpu.dma_semaphore, #tpu.memory_space<semaphore_mem>>) src(%arg15 : memref<16384xf32, #tpu.memory_space<vmem>>) dst(%dma_wait3A_165 : memref<16384xf32, #tpu.memory_space<hbm>>)
      %dma_wait3A_166 = tpu.memref_slice %arg9[%add3A_26, %mul3A_0] : memref<8x262144xf32, #tpu.memory_space<hbm>> -> memref<1x16384xf32, #tpu.memory_space<hbm>>
      %dma_wait3A_167 = tpu.memref_squeeze %dma_wait3A_166 : memref<1x16384xf32, #tpu.memory_space<hbm>> -> memref<16384xf32, #tpu.memory_space<hbm>>
      %dma_wait3A_168 = tpu.memref_slice %arg9[%add3A_26, %mul3A_0] : memref<8x262144xf32, #tpu.memory_space<hbm>> -> memref<1x16384xf32, #tpu.memory_space<hbm>>
      %dma_wait3A_169 = tpu.memref_squeeze %dma_wait3A_168 : memref<1x16384xf32, #tpu.memory_space<hbm>> -> memref<16384xf32, #tpu.memory_space<hbm>>
      tpu.wait_dma2 semaphore(%arg29 : memref<!tpu.dma_semaphore, #tpu.memory_space<semaphore_mem>>) src(%arg16 : memref<16384xf32, #tpu.memory_space<vmem>>) dst(%dma_wait3A_169 : memref<16384xf32, #tpu.memory_space<hbm>>)
      %dma_wait3A_170 = tpu.memref_slice %arg10[%add3A_26, %mul3A_0] : memref<8x262144xf32, #tpu.memory_space<hbm>> -> memref<1x16384xf32, #tpu.memory_space<hbm>>
      %dma_wait3A_171 = tpu.memref_squeeze %dma_wait3A_170 : memref<1x16384xf32, #tpu.memory_space<hbm>> -> memref<16384xf32, #tpu.memory_space<hbm>>
      %dma_wait3A_172 = tpu.memref_slice %arg10[%add3A_26, %mul3A_0] : memref<8x262144xf32, #tpu.memory_space<hbm>> -> memref<1x16384xf32, #tpu.memory_space<hbm>>
      %dma_wait3A_173 = tpu.memref_squeeze %dma_wait3A_172 : memref<1x16384xf32, #tpu.memory_space<hbm>> -> memref<16384xf32, #tpu.memory_space<hbm>>
      tpu.wait_dma2 semaphore(%arg29 : memref<!tpu.dma_semaphore, #tpu.memory_space<semaphore_mem>>) src(%arg13 : memref<16384xf32, #tpu.memory_space<vmem>>) dst(%dma_wait3A_173 : memref<16384xf32, #tpu.memory_space<hbm>>)
      %dma_wait3A_174 = tpu.memref_slice %arg11[%add3A_26, %mul3A_0] : memref<8x262144xf32, #tpu.memory_space<hbm>> -> memref<1x16384xf32, #tpu.memory_space<hbm>>
      %dma_wait3A_175 = tpu.memref_squeeze %dma_wait3A_174 : memref<1x16384xf32, #tpu.memory_space<hbm>> -> memref<16384xf32, #tpu.memory_space<hbm>>
      %dma_wait3A_176 = tpu.memref_slice %arg11[%add3A_26, %mul3A_0] : memref<8x262144xf32, #tpu.memory_space<hbm>> -> memref<1x16384xf32, #tpu.memory_space<hbm>>
      %dma_wait3A_177 = tpu.memref_squeeze %dma_wait3A_176 : memref<1x16384xf32, #tpu.memory_space<hbm>> -> memref<16384xf32, #tpu.memory_space<hbm>>
      tpu.wait_dma2 semaphore(%arg29 : memref<!tpu.dma_semaphore, #tpu.memory_space<semaphore_mem>>) src(%arg12 : memref<16384xf32, #tpu.memory_space<vmem>>) dst(%dma_wait3A_177 : memref<16384xf32, #tpu.memory_space<hbm>>)
    }
    %scan3A_18 = arith.constant 4 : i32
    return
  }
}

module attributes {stable_mosaic.version = 14 : i64} {
  func.func @_project_body(%arg0: i32, %arg1: memref<8x20xf32, #tpu.memory_space<vmem>>, %arg2: memref<8x8192xf32, #tpu.memory_space<vmem>>, %arg3: memref<8x8192xi32, #tpu.memory_space<vmem>>, %arg4: memref<8x8192xf32, #tpu.memory_space<vmem>>) attributes {dimension_semantics = [#tpu.dimension_semantics<arbitrary>], iteration_bounds = array<i64: 32>, scalar_prefetch = 0 : i64, scratch_operands = 0 : i64, tpu.core_type = #tpu.core_type<tc>, window_params = [{pipeline_mode = #tpu.pipeline_mode<synchronous>, transform_indices = @transform_0, window_bounds = array<i64: 8, 20>}, {transform_indices = @transform_1, window_bounds = array<i64: 8, 8192>}, {transform_indices = @transform_2, window_bounds = array<i64: 8, 8192>}, {transform_indices = @transform_3, window_bounds = array<i64: 8, 8192>}]} {
    %get3A = arith.constant 0 : index
    %get3A_0 = arith.constant 0 : index
    %get3A_1 = vector.load %arg1[%get3A, %get3A_0] : memref<8x20xf32, #tpu.memory_space<vmem>>, vector<8x1xf32>
    %get3A_2 = vector.shape_cast %get3A_1 : vector<8x1xf32> to vector<8xf32>
    %broadcast_in_dim3A = vector.shape_cast %get3A_2 : vector<8xf32> to vector<8x1xf32>
    %get3A_3 = arith.constant 0 : index
    %get3A_4 = arith.constant 1 : index
    %get3A_5 = vector.load %arg1[%get3A_3, %get3A_4] : memref<8x20xf32, #tpu.memory_space<vmem>>, vector<8x1xf32>
    %get3A_6 = vector.shape_cast %get3A_5 : vector<8x1xf32> to vector<8xf32>
    %broadcast_in_dim3A_7 = vector.shape_cast %get3A_6 : vector<8xf32> to vector<8x1xf32>
    %get3A_8 = arith.constant 0 : index
    %get3A_9 = arith.constant 2 : index
    %get3A_10 = vector.load %arg1[%get3A_8, %get3A_9] : memref<8x20xf32, #tpu.memory_space<vmem>>, vector<8x1xf32>
    %get3A_11 = vector.shape_cast %get3A_10 : vector<8x1xf32> to vector<8xf32>
    %broadcast_in_dim3A_12 = vector.shape_cast %get3A_11 : vector<8xf32> to vector<8x1xf32>
    %get3A_13 = arith.constant 0 : index
    %get3A_14 = arith.constant 3 : index
    %get3A_15 = vector.load %arg1[%get3A_13, %get3A_14] : memref<8x20xf32, #tpu.memory_space<vmem>>, vector<8x1xf32>
    %get3A_16 = vector.shape_cast %get3A_15 : vector<8x1xf32> to vector<8xf32>
    %broadcast_in_dim3A_17 = vector.shape_cast %get3A_16 : vector<8xf32> to vector<8x1xf32>
    %get3A_18 = arith.constant 0 : index
    %get3A_19 = arith.constant 4 : index
    %get3A_20 = vector.load %arg1[%get3A_18, %get3A_19] : memref<8x20xf32, #tpu.memory_space<vmem>>, vector<8x1xf32>
    %get3A_21 = vector.shape_cast %get3A_20 : vector<8x1xf32> to vector<8xf32>
    %broadcast_in_dim3A_22 = vector.shape_cast %get3A_21 : vector<8xf32> to vector<8x1xf32>
    %get3A_23 = arith.constant 0 : index
    %get3A_24 = arith.constant 5 : index
    %get3A_25 = vector.load %arg1[%get3A_23, %get3A_24] : memref<8x20xf32, #tpu.memory_space<vmem>>, vector<8x1xf32>
    %get3A_26 = vector.shape_cast %get3A_25 : vector<8x1xf32> to vector<8xf32>
    %broadcast_in_dim3A_27 = vector.shape_cast %get3A_26 : vector<8xf32> to vector<8x1xf32>
    %get3A_28 = arith.constant 0 : index
    %get3A_29 = arith.constant 6 : index
    %get3A_30 = vector.load %arg1[%get3A_28, %get3A_29] : memref<8x20xf32, #tpu.memory_space<vmem>>, vector<8x1xf32>
    %get3A_31 = vector.shape_cast %get3A_30 : vector<8x1xf32> to vector<8xf32>
    %broadcast_in_dim3A_32 = vector.shape_cast %get3A_31 : vector<8xf32> to vector<8x1xf32>
    %get3A_33 = arith.constant 0 : index
    %get3A_34 = arith.constant 7 : index
    %get3A_35 = vector.load %arg1[%get3A_33, %get3A_34] : memref<8x20xf32, #tpu.memory_space<vmem>>, vector<8x1xf32>
    %get3A_36 = vector.shape_cast %get3A_35 : vector<8x1xf32> to vector<8xf32>
    %broadcast_in_dim3A_37 = vector.shape_cast %get3A_36 : vector<8xf32> to vector<8x1xf32>
    %get3A_38 = arith.constant 0 : index
    %get3A_39 = arith.constant 8 : index
    %get3A_40 = vector.load %arg1[%get3A_38, %get3A_39] : memref<8x20xf32, #tpu.memory_space<vmem>>, vector<8x1xf32>
    %get3A_41 = vector.shape_cast %get3A_40 : vector<8x1xf32> to vector<8xf32>
    %broadcast_in_dim3A_42 = vector.shape_cast %get3A_41 : vector<8xf32> to vector<8x1xf32>
    %get3A_43 = arith.constant 0 : index
    %get3A_44 = arith.constant 9 : index
    %get3A_45 = vector.load %arg1[%get3A_43, %get3A_44] : memref<8x20xf32, #tpu.memory_space<vmem>>, vector<8x1xf32>
    %get3A_46 = vector.shape_cast %get3A_45 : vector<8x1xf32> to vector<8xf32>
    %broadcast_in_dim3A_47 = vector.shape_cast %get3A_46 : vector<8xf32> to vector<8x1xf32>
    %get3A_48 = arith.constant 0 : index
    %get3A_49 = arith.constant 10 : index
    %get3A_50 = vector.load %arg1[%get3A_48, %get3A_49] : memref<8x20xf32, #tpu.memory_space<vmem>>, vector<8x1xf32>
    %get3A_51 = vector.shape_cast %get3A_50 : vector<8x1xf32> to vector<8xf32>
    %broadcast_in_dim3A_52 = vector.shape_cast %get3A_51 : vector<8xf32> to vector<8x1xf32>
    %get3A_53 = arith.constant 0 : index
    %get3A_54 = arith.constant 11 : index
    %get3A_55 = vector.load %arg1[%get3A_53, %get3A_54] : memref<8x20xf32, #tpu.memory_space<vmem>>, vector<8x1xf32>
    %get3A_56 = vector.shape_cast %get3A_55 : vector<8x1xf32> to vector<8xf32>
    %broadcast_in_dim3A_57 = vector.shape_cast %get3A_56 : vector<8xf32> to vector<8x1xf32>
    %get3A_58 = arith.constant 0 : index
    %get3A_59 = arith.constant 12 : index
    %get3A_60 = vector.load %arg1[%get3A_58, %get3A_59] : memref<8x20xf32, #tpu.memory_space<vmem>>, vector<8x1xf32>
    %get3A_61 = vector.shape_cast %get3A_60 : vector<8x1xf32> to vector<8xf32>
    %broadcast_in_dim3A_62 = vector.shape_cast %get3A_61 : vector<8xf32> to vector<8x1xf32>
    %get3A_63 = arith.constant 0 : index
    %get3A_64 = arith.constant 13 : index
    %get3A_65 = vector.load %arg1[%get3A_63, %get3A_64] : memref<8x20xf32, #tpu.memory_space<vmem>>, vector<8x1xf32>
    %get3A_66 = vector.shape_cast %get3A_65 : vector<8x1xf32> to vector<8xf32>
    %broadcast_in_dim3A_67 = vector.shape_cast %get3A_66 : vector<8xf32> to vector<8x1xf32>
    %get3A_68 = arith.constant 0 : index
    %get3A_69 = arith.constant 14 : index
    %get3A_70 = vector.load %arg1[%get3A_68, %get3A_69] : memref<8x20xf32, #tpu.memory_space<vmem>>, vector<8x1xf32>
    %get3A_71 = vector.shape_cast %get3A_70 : vector<8x1xf32> to vector<8xf32>
    %broadcast_in_dim3A_72 = vector.shape_cast %get3A_71 : vector<8xf32> to vector<8x1xf32>
    %get3A_73 = arith.constant 0 : index
    %get3A_74 = arith.constant 15 : index
    %get3A_75 = vector.load %arg1[%get3A_73, %get3A_74] : memref<8x20xf32, #tpu.memory_space<vmem>>, vector<8x1xf32>
    %get3A_76 = vector.shape_cast %get3A_75 : vector<8x1xf32> to vector<8xf32>
    %broadcast_in_dim3A_77 = vector.shape_cast %get3A_76 : vector<8xf32> to vector<8x1xf32>
    %get3A_78 = arith.constant 0 : index
    %get3A_79 = arith.constant 16 : index
    %get3A_80 = vector.load %arg1[%get3A_78, %get3A_79] : memref<8x20xf32, #tpu.memory_space<vmem>>, vector<8x1xf32>
    %get3A_81 = vector.shape_cast %get3A_80 : vector<8x1xf32> to vector<8xf32>
    %broadcast_in_dim3A_82 = vector.shape_cast %get3A_81 : vector<8xf32> to vector<8x1xf32>
    %get3A_83 = arith.constant 0 : index
    %get3A_84 = arith.constant 17 : index
    %get3A_85 = vector.load %arg1[%get3A_83, %get3A_84] : memref<8x20xf32, #tpu.memory_space<vmem>>, vector<8x1xf32>
    %get3A_86 = vector.shape_cast %get3A_85 : vector<8x1xf32> to vector<8xf32>
    %broadcast_in_dim3A_87 = vector.shape_cast %get3A_86 : vector<8xf32> to vector<8x1xf32>
    %get3A_88 = arith.constant 0 : index
    %get3A_89 = arith.constant 18 : index
    %get3A_90 = vector.load %arg1[%get3A_88, %get3A_89] : memref<8x20xf32, #tpu.memory_space<vmem>>, vector<8x1xf32>
    %get3A_91 = vector.shape_cast %get3A_90 : vector<8x1xf32> to vector<8xf32>
    %broadcast_in_dim3A_92 = vector.shape_cast %get3A_91 : vector<8xf32> to vector<8x1xf32>
    %get3A_93 = arith.constant 0 : index
    %get3A_94 = arith.constant 19 : index
    %get3A_95 = vector.load %arg1[%get3A_93, %get3A_94] : memref<8x20xf32, #tpu.memory_space<vmem>>, vector<8x1xf32>
    %get3A_96 = vector.shape_cast %get3A_95 : vector<8x1xf32> to vector<8xf32>
    %broadcast_in_dim3A_97 = vector.shape_cast %get3A_96 : vector<8xf32> to vector<8x1xf32>
    %mul3A = arith.constant 8192 : i32
    %mul3A_98 = arith.muli %arg0, %mul3A : i32
    %iota3A = tpu.iota {dimensions = array<i32: 1>} : vector<8x8192xi32>
    %add3A = vector.broadcast %mul3A_98 : i32 to vector<8x8192xi32>
    %add3A_99 = arith.addi %add3A, %iota3A : vector<8x8192xi32>
    %jit3A = arith.constant 512 : i32
    %div3A = vector.broadcast %jit3A : i32 to vector<8x8192xi32>
    %div3A_100 = arith.divsi %add3A_99, %div3A : vector<8x8192xi32>
    %sign3A = arith.constant 0 : i32
    %sign3A_101 = vector.broadcast %sign3A : i32 to vector<8x8192xi32>
    %sign3A_102 = arith.cmpi sgt, %add3A_99, %sign3A_101 : vector<8x8192xi32>
    %sign3A_103 = arith.extui %sign3A_102 : vector<8x8192xi1> to vector<8x8192xi32>
    %sign3A_104 = arith.constant 0 : i32
    %sign3A_105 = vector.broadcast %sign3A_104 : i32 to vector<8x8192xi32>
    %sign3A_106 = arith.cmpi slt, %add3A_99, %sign3A_105 : vector<8x8192xi32>
    %sign3A_107 = arith.extui %sign3A_106 : vector<8x8192xi1> to vector<8x8192xi32>
    %sign3A_108 = arith.subi %sign3A_103, %sign3A_107 : vector<8x8192xi32>
    %sign3A_109 = arith.constant 0 : i32
    %sign3A_110 = arith.cmpi sgt, %jit3A, %sign3A_109 : i32
    %sign3A_111 = arith.extui %sign3A_110 : i1 to i32
    %sign3A_112 = arith.constant 0 : i32
    %sign3A_113 = arith.cmpi slt, %jit3A, %sign3A_112 : i32
    %sign3A_114 = arith.extui %sign3A_113 : i1 to i32
    %sign3A_115 = arith.subi %sign3A_111, %sign3A_114 : i32
    %ne3A = vector.broadcast %sign3A_115 : i32 to vector<8x8192xi32>
    %ne3A_116 = arith.cmpi ne, %sign3A_108, %ne3A : vector<8x8192xi32>
    %rem3A = vector.broadcast %jit3A : i32 to vector<8x8192xi32>
    %rem3A_117 = arith.remsi %add3A_99, %rem3A : vector<8x8192xi32>
    %ne3A_118 = arith.constant 0 : i32
    %ne3A_119 = vector.broadcast %ne3A_118 : i32 to vector<8x8192xi32>
    %ne3A_120 = arith.cmpi ne, %rem3A_117, %ne3A_119 : vector<8x8192xi32>
    %and3A = arith.andi %ne3A_116, %ne3A_120 : vector<8x8192xi1>
    %sub3A = arith.constant 1 : i32
    %sub3A_121 = vector.broadcast %sub3A : i32 to vector<8x8192xi32>
    %sub3A_122 = arith.subi %div3A_100, %sub3A_121 : vector<8x8192xi32>
    %select_n3A = arith.select %and3A, %sub3A_122, %div3A_100 : vector<8x8192xi1>, vector<8x8192xi32>
    %convert_element_type3A = arith.sitofp %select_n3A : vector<8x8192xi32> to vector<8x8192xf32>
    %jit3A_123 = arith.constant 512 : i32
    %eq3A = arith.constant 0 : i32
    %eq3A_124 = arith.cmpi eq, %jit3A_123, %eq3A : i32
    %jit3A_125 = arith.constant 1 : i32
    %select_n3A_126 = arith.select %eq3A_124, %jit3A_125, %jit3A_123 : i32
    %rem3A_127 = vector.broadcast %select_n3A_126 : i32 to vector<8x8192xi32>
    %rem3A_128 = arith.remsi %add3A_99, %rem3A_127 : vector<8x8192xi32>
    %ne3A_129 = arith.constant 0 : i32
    %ne3A_130 = vector.broadcast %ne3A_129 : i32 to vector<8x8192xi32>
    %ne3A_131 = arith.cmpi ne, %rem3A_128, %ne3A_130 : vector<8x8192xi32>
    %lt3A = arith.constant 0 : i32
    %lt3A_132 = vector.broadcast %lt3A : i32 to vector<8x8192xi32>
    %lt3A_133 = arith.cmpi slt, %rem3A_128, %lt3A_132 : vector<8x8192xi32>
    %lt3A_134 = arith.constant 0 : i32
    %lt3A_135 = arith.cmpi slt, %select_n3A_126, %lt3A_134 : i32
    %ne3A_136 = vector.broadcast %lt3A_135 : i1 to vector<8x8192xi1>
    %ne3A_137 = vector.broadcast %ne3A_136 : vector<8x8192xi1> to vector<8x8192xi1>
    %ne3A_138 = arith.xori %lt3A_133, %ne3A_137 : vector<8x8192xi1>
    %and3A_139 = arith.andi %ne3A_138, %ne3A_131 : vector<8x8192xi1>
    %add3A_140 = vector.broadcast %select_n3A_126 : i32 to vector<8x8192xi32>
    %add3A_141 = arith.addi %rem3A_128, %add3A_140 : vector<8x8192xi32>
    %select_n3A_142 = arith.select %and3A_139, %add3A_141, %rem3A_128 : vector<8x8192xi1>, vector<8x8192xi32>
    %convert_element_type3A_143 = arith.sitofp %select_n3A_142 : vector<8x8192xi32> to vector<8x8192xf32>
    %get3A_144 = arith.constant 0 : index
    %get3A_145 = arith.constant 0 : index
    %get3A_146 = vector.load %arg2[%get3A_144, %get3A_145] : memref<8x8192xf32, #tpu.memory_space<vmem>>, vector<8x8192xf32>
    %sub3A_147 = vector.broadcast %broadcast_in_dim3A_12 : vector<8x1xf32> to vector<8x8192xf32>
    %sub3A_148 = arith.subf %convert_element_type3A_143, %sub3A_147 : vector<8x8192xf32>
    %div3A_149 = vector.broadcast %broadcast_in_dim3A : vector<8x1xf32> to vector<8x8192xf32>
    %div3A_150 = arith.divf %sub3A_148, %div3A_149 : vector<8x8192xf32>
    %mul3A_151 = arith.mulf %div3A_150, %get3A_146 : vector<8x8192xf32>
    %sub3A_152 = vector.broadcast %broadcast_in_dim3A_17 : vector<8x1xf32> to vector<8x8192xf32>
    %sub3A_153 = arith.subf %convert_element_type3A, %sub3A_152 : vector<8x8192xf32>
    %div3A_154 = vector.broadcast %broadcast_in_dim3A_7 : vector<8x1xf32> to vector<8x8192xf32>
    %div3A_155 = arith.divf %sub3A_153, %div3A_154 : vector<8x8192xf32>
    %mul3A_156 = arith.mulf %div3A_155, %get3A_146 : vector<8x8192xf32>
    %convert_element_type3A_157 = arith.truncf %mul3A_151 : vector<8x8192xf32> to vector<8x8192xbf16>
    %convert_element_type3A_158 = arith.extf %convert_element_type3A_157 : vector<8x8192xbf16> to vector<8x8192xf32>
    %convert_element_type3A_159 = arith.truncf %mul3A_156 : vector<8x8192xf32> to vector<8x8192xbf16>
    %convert_element_type3A_160 = arith.extf %convert_element_type3A_159 : vector<8x8192xbf16> to vector<8x8192xf32>
    %convert_element_type3A_161 = arith.truncf %get3A_146 : vector<8x8192xf32> to vector<8x8192xbf16>
    %convert_element_type3A_162 = arith.extf %convert_element_type3A_161 : vector<8x8192xbf16> to vector<8x8192xf32>
    %convert_element_type3A_163 = arith.truncf %broadcast_in_dim3A_42 : vector<8x1xf32> to vector<8x1xbf16>
    %convert_element_type3A_164 = arith.extf %convert_element_type3A_163 : vector<8x1xbf16> to vector<8x1xf32>
    %mul3A_165 = vector.broadcast %convert_element_type3A_164 : vector<8x1xf32> to vector<8x8192xf32>
    %mul3A_166 = arith.mulf %mul3A_165, %convert_element_type3A_158 : vector<8x8192xf32>
    %convert_element_type3A_167 = arith.truncf %broadcast_in_dim3A_47 : vector<8x1xf32> to vector<8x1xbf16>
    %convert_element_type3A_168 = arith.extf %convert_element_type3A_167 : vector<8x1xbf16> to vector<8x1xf32>
    %mul3A_169 = vector.broadcast %convert_element_type3A_168 : vector<8x1xf32> to vector<8x8192xf32>
    %mul3A_170 = arith.mulf %mul3A_169, %convert_element_type3A_160 : vector<8x8192xf32>
    %convert_element_type3A_171 = arith.truncf %broadcast_in_dim3A_52 : vector<8x1xf32> to vector<8x1xbf16>
    %convert_element_type3A_172 = arith.extf %convert_element_type3A_171 : vector<8x1xbf16> to vector<8x1xf32>
    %mul3A_173 = vector.broadcast %convert_element_type3A_172 : vector<8x1xf32> to vector<8x8192xf32>
    %mul3A_174 = arith.mulf %mul3A_173, %convert_element_type3A_162 : vector<8x8192xf32>
    %add3A_175 = arith.addf %mul3A_166, %mul3A_170 : vector<8x8192xf32>
    %sub3A_176 = arith.subf %add3A_175, %mul3A_166 : vector<8x8192xf32>
    %sub3A_177 = arith.subf %add3A_175, %sub3A_176 : vector<8x8192xf32>
    %sub3A_178 = arith.subf %mul3A_166, %sub3A_177 : vector<8x8192xf32>
    %sub3A_179 = arith.subf %mul3A_170, %sub3A_176 : vector<8x8192xf32>
    %add3A_180 = arith.addf %sub3A_178, %sub3A_179 : vector<8x8192xf32>
    %add3A_181 = arith.addf %add3A_175, %mul3A_174 : vector<8x8192xf32>
    %sub3A_182 = arith.subf %add3A_181, %add3A_175 : vector<8x8192xf32>
    %sub3A_183 = arith.subf %add3A_181, %sub3A_182 : vector<8x8192xf32>
    %sub3A_184 = arith.subf %add3A_175, %sub3A_183 : vector<8x8192xf32>
    %sub3A_185 = arith.subf %mul3A_174, %sub3A_182 : vector<8x8192xf32>
    %add3A_186 = arith.addf %sub3A_184, %sub3A_185 : vector<8x8192xf32>
    %add3A_187 = arith.addf %add3A_180, %add3A_186 : vector<8x8192xf32>
    %add3A_188 = arith.addf %add3A_181, %add3A_187 : vector<8x8192xf32>
    %add3A_189 = vector.broadcast %broadcast_in_dim3A_87 : vector<8x1xf32> to vector<8x8192xf32>
    %add3A_190 = arith.addf %add3A_188, %add3A_189 : vector<8x8192xf32>
    %convert_element_type3A_191 = arith.truncf %broadcast_in_dim3A_57 : vector<8x1xf32> to vector<8x1xbf16>
    %convert_element_type3A_192 = arith.extf %convert_element_type3A_191 : vector<8x1xbf16> to vector<8x1xf32>
    %mul3A_193 = vector.broadcast %convert_element_type3A_192 : vector<8x1xf32> to vector<8x8192xf32>
    %mul3A_194 = arith.mulf %mul3A_193, %convert_element_type3A_158 : vector<8x8192xf32>
    %convert_element_type3A_195 = arith.truncf %broadcast_in_dim3A_62 : vector<8x1xf32> to vector<8x1xbf16>
    %convert_element_type3A_196 = arith.extf %convert_element_type3A_195 : vector<8x1xbf16> to vector<8x1xf32>
    %mul3A_197 = vector.broadcast %convert_element_type3A_196 : vector<8x1xf32> to vector<8x8192xf32>
    %mul3A_198 = arith.mulf %mul3A_197, %convert_element_type3A_160 : vector<8x8192xf32>
    %convert_element_type3A_199 = arith.truncf %broadcast_in_dim3A_67 : vector<8x1xf32> to vector<8x1xbf16>
    %convert_element_type3A_200 = arith.extf %convert_element_type3A_199 : vector<8x1xbf16> to vector<8x1xf32>
    %mul3A_201 = vector.broadcast %convert_element_type3A_200 : vector<8x1xf32> to vector<8x8192xf32>
    %mul3A_202 = arith.mulf %mul3A_201, %convert_element_type3A_162 : vector<8x8192xf32>
    %add3A_203 = arith.addf %mul3A_194, %mul3A_198 : vector<8x8192xf32>
    %sub3A_204 = arith.subf %add3A_203, %mul3A_194 : vector<8x8192xf32>
    %sub3A_205 = arith.subf %add3A_203, %sub3A_204 : vector<8x8192xf32>
    %sub3A_206 = arith.subf %mul3A_194, %sub3A_205 : vector<8x8192xf32>
    %sub3A_207 = arith.subf %mul3A_198, %sub3A_204 : vector<8x8192xf32>
    %add3A_208 = arith.addf %sub3A_206, %sub3A_207 : vector<8x8192xf32>
    %add3A_209 = arith.addf %add3A_203, %mul3A_202 : vector<8x8192xf32>
    %sub3A_210 = arith.subf %add3A_209, %add3A_203 : vector<8x8192xf32>
    %sub3A_211 = arith.subf %add3A_209, %sub3A_210 : vector<8x8192xf32>
    %sub3A_212 = arith.subf %add3A_203, %sub3A_211 : vector<8x8192xf32>
    %sub3A_213 = arith.subf %mul3A_202, %sub3A_210 : vector<8x8192xf32>
    %add3A_214 = arith.addf %sub3A_212, %sub3A_213 : vector<8x8192xf32>
    %add3A_215 = arith.addf %add3A_208, %add3A_214 : vector<8x8192xf32>
    %add3A_216 = arith.addf %add3A_209, %add3A_215 : vector<8x8192xf32>
    %add3A_217 = vector.broadcast %broadcast_in_dim3A_92 : vector<8x1xf32> to vector<8x8192xf32>
    %add3A_218 = arith.addf %add3A_216, %add3A_217 : vector<8x8192xf32>
    %convert_element_type3A_219 = arith.truncf %broadcast_in_dim3A_72 : vector<8x1xf32> to vector<8x1xbf16>
    %convert_element_type3A_220 = arith.extf %convert_element_type3A_219 : vector<8x1xbf16> to vector<8x1xf32>
    %mul3A_221 = vector.broadcast %convert_element_type3A_220 : vector<8x1xf32> to vector<8x8192xf32>
    %mul3A_222 = arith.mulf %mul3A_221, %convert_element_type3A_158 : vector<8x8192xf32>
    %convert_element_type3A_223 = arith.truncf %broadcast_in_dim3A_77 : vector<8x1xf32> to vector<8x1xbf16>
    %convert_element_type3A_224 = arith.extf %convert_element_type3A_223 : vector<8x1xbf16> to vector<8x1xf32>
    %mul3A_225 = vector.broadcast %convert_element_type3A_224 : vector<8x1xf32> to vector<8x8192xf32>
    %mul3A_226 = arith.mulf %mul3A_225, %convert_element_type3A_160 : vector<8x8192xf32>
    %convert_element_type3A_227 = arith.truncf %broadcast_in_dim3A_82 : vector<8x1xf32> to vector<8x1xbf16>
    %convert_element_type3A_228 = arith.extf %convert_element_type3A_227 : vector<8x1xbf16> to vector<8x1xf32>
    %mul3A_229 = vector.broadcast %convert_element_type3A_228 : vector<8x1xf32> to vector<8x8192xf32>
    %mul3A_230 = arith.mulf %mul3A_229, %convert_element_type3A_162 : vector<8x8192xf32>
    %add3A_231 = arith.addf %mul3A_222, %mul3A_226 : vector<8x8192xf32>
    %sub3A_232 = arith.subf %add3A_231, %mul3A_222 : vector<8x8192xf32>
    %sub3A_233 = arith.subf %add3A_231, %sub3A_232 : vector<8x8192xf32>
    %sub3A_234 = arith.subf %mul3A_222, %sub3A_233 : vector<8x8192xf32>
    %sub3A_235 = arith.subf %mul3A_226, %sub3A_232 : vector<8x8192xf32>
    %add3A_236 = arith.addf %sub3A_234, %sub3A_235 : vector<8x8192xf32>
    %add3A_237 = arith.addf %add3A_231, %mul3A_230 : vector<8x8192xf32>
    %sub3A_238 = arith.subf %add3A_237, %add3A_231 : vector<8x8192xf32>
    %sub3A_239 = arith.subf %add3A_237, %sub3A_238 : vector<8x8192xf32>
    %sub3A_240 = arith.subf %add3A_231, %sub3A_239 : vector<8x8192xf32>
    %sub3A_241 = arith.subf %mul3A_230, %sub3A_238 : vector<8x8192xf32>
    %add3A_242 = arith.addf %sub3A_240, %sub3A_241 : vector<8x8192xf32>
    %add3A_243 = arith.addf %add3A_236, %add3A_242 : vector<8x8192xf32>
    %add3A_244 = arith.addf %add3A_237, %add3A_243 : vector<8x8192xf32>
    %add3A_245 = vector.broadcast %broadcast_in_dim3A_97 : vector<8x1xf32> to vector<8x8192xf32>
    %add3A_246 = arith.addf %add3A_244, %add3A_245 : vector<8x8192xf32>
    %abs3A = math.absf %add3A_246 : vector<8x8192xf32>
    %gt3A = arith.constant 9.99999997E-7 : f32
    %gt3A_247 = vector.broadcast %gt3A : f32 to vector<8x8192xf32>
    %gt3A_248 = arith.cmpf ogt, %abs3A, %gt3A_247 : vector<8x8192xf32>
    %jit3A_249 = arith.constant 9.99999997E-7 : f32
    %broadcast_in_dim3A_250 = vector.broadcast %jit3A_249 : f32 to vector<8x8192xf32>
    %select_n3A_251 = arith.select %gt3A_248, %add3A_246, %broadcast_in_dim3A_250 : vector<8x8192xi1>, vector<8x8192xf32>
    %mul3A_252 = vector.broadcast %broadcast_in_dim3A_22 : vector<8x1xf32> to vector<8x8192xf32>
    %mul3A_253 = arith.mulf %mul3A_252, %add3A_190 : vector<8x8192xf32>
    %div3A_254 = arith.divf %mul3A_253, %select_n3A_251 : vector<8x8192xf32>
    %add3A_255 = vector.broadcast %broadcast_in_dim3A_32 : vector<8x1xf32> to vector<8x8192xf32>
    %add3A_256 = arith.addf %div3A_254, %add3A_255 : vector<8x8192xf32>
    %mul3A_257 = vector.broadcast %broadcast_in_dim3A_27 : vector<8x1xf32> to vector<8x8192xf32>
    %mul3A_258 = arith.mulf %mul3A_257, %add3A_218 : vector<8x8192xf32>
    %div3A_259 = arith.divf %mul3A_258, %select_n3A_251 : vector<8x8192xf32>
    %add3A_260 = vector.broadcast %broadcast_in_dim3A_37 : vector<8x1xf32> to vector<8x8192xf32>
    %add3A_261 = arith.addf %div3A_259, %add3A_260 : vector<8x8192xf32>
    %round3A = math.roundeven %add3A_256 : vector<8x8192xf32>
    %convert_element_type3A_262 = arith.fptosi %round3A : vector<8x8192xf32> to vector<8x8192xi32>
    %round3A_263 = math.roundeven %add3A_261 : vector<8x8192xf32>
    %convert_element_type3A_264 = arith.fptosi %round3A_263 : vector<8x8192xf32> to vector<8x8192xi32>
    %ge3A = arith.constant 0 : i32
    %ge3A_265 = vector.broadcast %ge3A : i32 to vector<8x8192xi32>
    %ge3A_266 = arith.cmpi sge, %convert_element_type3A_262, %ge3A_265 : vector<8x8192xi32>
    %lt3A_267 = arith.constant 512 : i32
    %lt3A_268 = vector.broadcast %lt3A_267 : i32 to vector<8x8192xi32>
    %lt3A_269 = arith.cmpi slt, %convert_element_type3A_262, %lt3A_268 : vector<8x8192xi32>
    %and3A_270 = arith.andi %ge3A_266, %lt3A_269 : vector<8x8192xi1>
    %ge3A_271 = arith.constant 0 : i32
    %ge3A_272 = vector.broadcast %ge3A_271 : i32 to vector<8x8192xi32>
    %ge3A_273 = arith.cmpi sge, %convert_element_type3A_264, %ge3A_272 : vector<8x8192xi32>
    %and3A_274 = arith.andi %and3A_270, %ge3A_273 : vector<8x8192xi1>
    %lt3A_275 = arith.constant 512 : i32
    %lt3A_276 = vector.broadcast %lt3A_275 : i32 to vector<8x8192xi32>
    %lt3A_277 = arith.cmpi slt, %convert_element_type3A_264, %lt3A_276 : vector<8x8192xi32>
    %and3A_278 = arith.andi %and3A_274, %lt3A_277 : vector<8x8192xi1>
    %gt3A_279 = arith.constant 9.99999997E-7 : f32
    %gt3A_280 = vector.broadcast %gt3A_279 : f32 to vector<8x8192xf32>
    %gt3A_281 = arith.cmpf ogt, %add3A_246, %gt3A_280 : vector<8x8192xf32>
    %and3A_282 = arith.andi %and3A_278, %gt3A_281 : vector<8x8192xi1>
    %gt3A_283 = arith.constant 9.99999997E-7 : f32
    %gt3A_284 = vector.broadcast %gt3A_283 : f32 to vector<8x8192xf32>
    %gt3A_285 = arith.cmpf ogt, %get3A_146, %gt3A_284 : vector<8x8192xf32>
    %and3A_286 = arith.andi %and3A_282, %gt3A_285 : vector<8x8192xi1>
    %mul3A_287 = arith.constant 512 : i32
    %mul3A_288 = vector.broadcast %mul3A_287 : i32 to vector<8x8192xi32>
    %mul3A_289 = arith.muli %convert_element_type3A_264, %mul3A_288 : vector<8x8192xi32>
    %add3A_290 = arith.addi %mul3A_289, %convert_element_type3A_262 : vector<8x8192xi32>
    %jit3A_291 = arith.constant -1 : i32
    %broadcast_in_dim3A_292 = vector.broadcast %jit3A_291 : i32 to vector<8x8192xi32>
    %select_n3A_293 = arith.select %and3A_286, %add3A_290, %broadcast_in_dim3A_292 : vector<8x8192xi1>, vector<8x8192xi32>
    %swap3A = arith.constant 0 : index
    %swap3A_294 = arith.constant 0 : index
    %swap3A_295 = vector.load %arg3[%swap3A, %swap3A_294] : memref<8x8192xi32, #tpu.memory_space<vmem>>, vector<8x8192xi32>
    tpu.vector_store %arg3[%swap3A, %swap3A_294], %select_n3A_293 {strides = array<i32>} : memref<8x8192xi32, #tpu.memory_space<vmem>>, vector<8x8192xi32>,
    %swap3A_296 = arith.constant 0 : index
    %swap3A_297 = arith.constant 0 : index
    %swap3A_298 = vector.load %arg4[%swap3A_296, %swap3A_297] : memref<8x8192xf32, #tpu.memory_space<vmem>>, vector<8x8192xf32>
    tpu.vector_store %arg4[%swap3A_296, %swap3A_297], %add3A_246 {strides = array<i32>} : memref<8x8192xf32, #tpu.memory_space<vmem>>, vector<8x8192xf32>,
    return
  }
  func.func @transform_0(%arg0: i32) -> (i32, i32) {
    %c0_i32 = arith.constant 0 : i32
    %c0_i32_0 = arith.constant 0 : i32
    %c0_i32_1 = arith.constant 0 : i32
    return %c0_i32, %c0_i32_0 : i32, i32
  }
  func.func @transform_1(%arg0: i32) -> (i32, i32) {
    %c0_i32 = arith.constant 0 : i32
    %c0_i32_0 = arith.constant 0 : i32
    return %c0_i32, %arg0 : i32, i32
  }
  func.func @transform_2(%arg0: i32) -> (i32, i32) {
    %c0_i32 = arith.constant 0 : i32
    %c0_i32_0 = arith.constant 0 : i32
    return %c0_i32, %arg0 : i32, i32
  }
  func.func @transform_3(%arg0: i32) -> (i32, i32) {
    %c0_i32 = arith.constant 0 : i32
    %c0_i32_0 = arith.constant 0 : i32
    return %c0_i32, %arg0 : i32, i32
  }
}

module attributes {stable_mosaic.version = 14 : i64} {
  func.func @_finalize_body(%arg0: i32, %arg1: memref<8x32768xf32, #tpu.memory_space<vmem>>, %arg2: memref<8x32768xf32, #tpu.memory_space<vmem>>, %arg3: memref<8x32768xf32, #tpu.memory_space<vmem>>, %arg4: memref<8x32768xf32, #tpu.memory_space<vmem>>, %arg5: memref<8x32768xf32, #tpu.memory_space<vmem>>, %arg6: memref<8x32768xf32, #tpu.memory_space<vmem>>, %arg7: memref<8x32768xf32, #tpu.memory_space<vmem>>, %arg8: memref<8x32768xf32, #tpu.memory_space<vmem>>, %arg9: memref<8x32768xf32, #tpu.memory_space<vmem>>, %arg10: memref<8x32768xf32, #tpu.memory_space<vmem>>) attributes {dimension_semantics = [#tpu.dimension_semantics<arbitrary>], iteration_bounds = array<i64: 8>, scalar_prefetch = 0 : i64, scratch_operands = 0 : i64, tpu.core_type = #tpu.core_type<tc>, window_params = [{transform_indices = @transform_0, window_bounds = array<i64: 8, 32768>}, {transform_indices = @transform_1, window_bounds = array<i64: 8, 32768>}, {transform_indices = @transform_2, window_bounds = array<i64: 8, 32768>}, {transform_indices = @transform_3, window_bounds = array<i64: 8, 32768>}, {transform_indices = @transform_4, window_bounds = array<i64: 8, 32768>}, {transform_indices = @transform_5, window_bounds = array<i64: 8, 32768>}, {transform_indices = @transform_6, window_bounds = array<i64: 8, 32768>}, {transform_indices = @transform_7, window_bounds = array<i64: 8, 32768>}, {transform_indices = @transform_8, window_bounds = array<i64: 8, 32768>}, {transform_indices = @transform_9, window_bounds = array<i64: 8, 32768>}]} {
    %get3A = arith.constant 0 : index
    %get3A_0 = arith.constant 0 : index
    %get3A_1 = vector.load %arg4[%get3A, %get3A_0] : memref<8x32768xf32, #tpu.memory_space<vmem>>, vector<8x32768xf32>
    %gt3A = arith.constant 0.000000e+00 : f32
    %gt3A_2 = vector.broadcast %gt3A : f32 to vector<8x32768xf32>
    %gt3A_3 = arith.cmpf ogt, %get3A_1, %gt3A_2 : vector<8x32768xf32>
    %max3A = arith.constant 1.000000e+00 : f32
    %max3A_4 = vector.broadcast %max3A : f32 to vector<8x32768xf32>
    %max3A_5 = arith.maximumf %get3A_1, %max3A_4 : vector<8x32768xf32>
    %get3A_6 = arith.constant 0 : index
    %get3A_7 = arith.constant 0 : index
    %get3A_8 = vector.load %arg1[%get3A_6, %get3A_7] : memref<8x32768xf32, #tpu.memory_space<vmem>>, vector<8x32768xf32>
    %div3A = arith.divf %get3A_8, %max3A_5 : vector<8x32768xf32>
    %swap3A = arith.constant 0 : index
    %swap3A_9 = arith.constant 0 : index
    %swap3A_10 = vector.load %arg6[%swap3A, %swap3A_9] : memref<8x32768xf32, #tpu.memory_space<vmem>>, vector<8x32768xf32>
    tpu.vector_store %arg6[%swap3A, %swap3A_9], %div3A {strides = array<i32>} : memref<8x32768xf32, #tpu.memory_space<vmem>>, vector<8x32768xf32>,
    %get3A_11 = arith.constant 0 : index
    %get3A_12 = arith.constant 0 : index
    %get3A_13 = vector.load %arg2[%get3A_11, %get3A_12] : memref<8x32768xf32, #tpu.memory_space<vmem>>, vector<8x32768xf32>
    %div3A_14 = arith.divf %get3A_13, %max3A_5 : vector<8x32768xf32>
    %swap3A_15 = arith.constant 0 : index
    %swap3A_16 = arith.constant 0 : index
    %swap3A_17 = vector.load %arg7[%swap3A_15, %swap3A_16] : memref<8x32768xf32, #tpu.memory_space<vmem>>, vector<8x32768xf32>
    tpu.vector_store %arg7[%swap3A_15, %swap3A_16], %div3A_14 {strides = array<i32>} : memref<8x32768xf32, #tpu.memory_space<vmem>>, vector<8x32768xf32>,
    %get3A_18 = arith.constant 0 : index
    %get3A_19 = arith.constant 0 : index
    %get3A_20 = vector.load %arg3[%get3A_18, %get3A_19] : memref<8x32768xf32, #tpu.memory_space<vmem>>, vector<8x32768xf32>
    %div3A_21 = arith.divf %get3A_20, %max3A_5 : vector<8x32768xf32>
    %swap3A_22 = arith.constant 0 : index
    %swap3A_23 = arith.constant 0 : index
    %swap3A_24 = vector.load %arg8[%swap3A_22, %swap3A_23] : memref<8x32768xf32, #tpu.memory_space<vmem>>, vector<8x32768xf32>
    tpu.vector_store %arg8[%swap3A_22, %swap3A_23], %div3A_21 {strides = array<i32>} : memref<8x32768xf32, #tpu.memory_space<vmem>>, vector<8x32768xf32>,
    %get3A_25 = arith.constant 0 : index
    %get3A_26 = arith.constant 0 : index
    %get3A_27 = vector.load %arg5[%get3A_25, %get3A_26] : memref<8x32768xf32, #tpu.memory_space<vmem>>, vector<8x32768xf32>
    %jit3A = arith.constant 0.000000e+00 : f32
    %broadcast_in_dim3A = vector.broadcast %jit3A : f32 to vector<8x32768xf32>
    %select_n3A = arith.select %gt3A_3, %get3A_27, %broadcast_in_dim3A : vector<8x32768xi1>, vector<8x32768xf32>
    %swap3A_28 = arith.constant 0 : index
    %swap3A_29 = arith.constant 0 : index
    %swap3A_30 = vector.load %arg9[%swap3A_28, %swap3A_29] : memref<8x32768xf32, #tpu.memory_space<vmem>>, vector<8x32768xf32>
    tpu.vector_store %arg9[%swap3A_28, %swap3A_29], %select_n3A {strides = array<i32>} : memref<8x32768xf32, #tpu.memory_space<vmem>>, vector<8x32768xf32>,
    %jit3A_31 = arith.constant 1.000000e+00 : f32
    %jit3A_32 = arith.constant 0.000000e+00 : f32
    %broadcast_in_dim3A_33 = vector.broadcast %jit3A_31 : f32 to vector<8x32768xf32>
    %broadcast_in_dim3A_34 = vector.broadcast %jit3A_32 : f32 to vector<8x32768xf32>
    %select_n3A_35 = arith.select %gt3A_3, %broadcast_in_dim3A_33, %broadcast_in_dim3A_34 : vector<8x32768xi1>, vector<8x32768xf32>
    %swap3A_36 = arith.constant 0 : index
    %swap3A_37 = arith.constant 0 : index
    %swap3A_38 = vector.load %arg10[%swap3A_36, %swap3A_37] : memref<8x32768xf32, #tpu.memory_space<vmem>>, vector<8x32768xf32>
    tpu.vector_store %arg10[%swap3A_36, %swap3A_37], %select_n3A_35 {strides = array<i32>} : memref<8x32768xf32, #tpu.memory_space<vmem>>, vector<8x32768xf32>,
    return
  }
  func.func @transform_0(%arg0: i32) -> (i32, i32) {
    %c0_i32 = arith.constant 0 : i32
    %c0_i32_0 = arith.constant 0 : i32
    return %c0_i32, %arg0 : i32, i32
  }
  func.func @transform_1(%arg0: i32) -> (i32, i32) {
    %c0_i32 = arith.constant 0 : i32
    %c0_i32_0 = arith.constant 0 : i32
    return %c0_i32, %arg0 : i32, i32
  }
  func.func @transform_2(%arg0: i32) -> (i32, i32) {
    %c0_i32 = arith.constant 0 : i32
    %c0_i32_0 = arith.constant 0 : i32
    return %c0_i32, %arg0 : i32, i32
  }
  func.func @transform_3(%arg0: i32) -> (i32, i32) {
    %c0_i32 = arith.constant 0 : i32
    %c0_i32_0 = arith.constant 0 : i32
    return %c0_i32, %arg0 : i32, i32
  }
  func.func @transform_4(%arg0: i32) -> (i32, i32) {
    %c0_i32 = arith.constant 0 : i32
    %c0_i32_0 = arith.constant 0 : i32
    return %c0_i32, %arg0 : i32, i32
  }
  func.func @transform_5(%arg0: i32) -> (i32, i32) {
    %c0_i32 = arith.constant 0 : i32
    %c0_i32_0 = arith.constant 0 : i32
    return %c0_i32, %arg0 : i32, i32
  }
  func.func @transform_6(%arg0: i32) -> (i32, i32) {
    %c0_i32 = arith.constant 0 : i32
    %c0_i32_0 = arith.constant 0 : i32
    return %c0_i32, %arg0 : i32, i32
  }
  func.func @transform_7(%arg0: i32) -> (i32, i32) {
    %c0_i32 = arith.constant 0 : i32
    %c0_i32_0 = arith.constant 0 : i32
    return %c0_i32, %arg0 : i32, i32
  }
  func.func @transform_8(%arg0: i32) -> (i32, i32) {
    %c0_i32 = arith.constant 0 : i32
    %c0_i32_0 = arith.constant 0 : i32
    return %c0_i32, %arg0 : i32, i32
  }
  func.func @transform_9(%arg0: i32) -> (i32, i32) {
    %c0_i32 = arith.constant 0 : i32
    %c0_i32_0 = arith.constant 0 : i32
    return %c0_i32, %arg0 : i32, i32
  }
}

</mosaic_0001>

<sc_bundles>
// kernel: kernel.5.cloned.1.call-start
scs
__scs_entry_jumppad:
0x0: {  	(pc) =	sbr.rel $0x88, $3  }
0x1: {  	(tag) =	ssettag $0x0;
	lr =	simm.s32 $0x1  }
0x2: {  	[smem:$0x3F9C] =	sst lr;
	_ =	strace $0xD0000000  }
0x3: {  	_ = 	snop  }
0x4: {  	_ = 	snop  }
0x5: {  	_ = 	snop  }
0x6: {  	_ = 	snop  }
0x7: {  	_ = 	snop  }
__scs_overlays_trampoline_lowered:
0x8: {  	[smem:$0x3FAB] =	sst s0  }
0x9: {  	[smem:$0x3FAC] =	sst s1  }
0xa: {  	[smem:$0x3FAD] =	sst s2  }
0xb: {  	[smem:$0x3FAE] =	sst s3  }
0xc: {  	[smem:$0x3FAF] =	sst s4  }
0xd: {  	[smem:$0x3FB0] =	sst s5  }
0xe: {  	[smem:$0x3FB1] =	sst s6  }
0xf: {  	[smem:$0x3FB2] =	sst s7  }
0x10: {  	[smem:$0x3FB3] =	sst s8  }
0x11: {  	[smem:$0x3FB4] =	sst s9;
	s0 =	simm.s32 @!p0 $0x0  }
0x12: {  	s1 =	sld [smem:$0x3F9A];
	s0 =	simm.s32 @p0 $0x1  }
0x13: {  	[smem:$0x3FB5] =	sst s0;
	s0 =	simm.s32 @!p1 $0x0  }
0x14: {  	s2 =	sld [smem:$0x3F99];
	s0 =	simm.s32 @p1 $0x1  }
0x15: {  	[smem:$0x3FB6] =	sst s0;
	s0 =	simm.s32 @!p2 $0x0  }
0x16: {  	s3 =	sld [smem:$0x3FDB];
	s0 =	simm.s32 @p2 $0x1  }
0x17: {  	s4 =	simm.s32 $0x1BF5;
	[smem:$0x3FB8] =	sst s0  }
0x18: {  	s0 =	sld [smem:$0x3F9B];
	_ =	swait.ge [sflag:s4], $0x0  }
0x19: {  	s7 =	sld [smem:$0x3F9C]  }
0x1a: {  	s8 =	sadd.s32 $0xFFFFE003, lr  }
0x1b: {  	s9 =	sadd.s32 $0xFFFFFEF7, lr;
	s5 =	simm.s32 $0xFFFFFFFF;
	p2 =	slt.u32 s8, $0xFFFFF086  }
0x1c: {  	p1 =	slt.u32 s9, $0xF7A;
	s5 =	simm.s32 @!p2 $0x0  }
0x1d: {  	s5 =	simm.s32 @p1 $0x1;
	p0 =	seq.s32 s7, s2  }
0x1e: {  	s7 =	smul.u32 @!p0 $0xF7A, s2;
	p2 =	seq.s32 @!p0 s5, $0x0  }
0x1f: {  	s9 =	smul.u32 $0xF7A, s1;
	s8 =	simm.s32 @!p0 $0x1BF5;
	p2 =	por !p2, p0  }
0x20: {  	[sflag:s8] =	ssyncset.s32 @!p0 $0xFFFFF086;
	s6 =	sadd.s32 @!p0 s3, s7;
	s7 =	simm.s32 @!p0 $0x108  }
0x21: {  	s3 =	sadd.s32 s3, s9;
	s6 =	sadd.s32 @!p0 $0x88, s6;
	s7 =	simm.s32 @p2 $0x1082  }
0x22: {  	[simem:s7], [sflag:s8] =	dma.local @!p0 [hbm:s6], $0xF7A  }
0x23: {  	s9 =	sor.u32 $0xD0000000, s2;
	s6 =	simm.s32 $0x108;
	_ =	swait.ge @!p0 [sflag:s8], $0x0  }
0x24: {  	s3 =	sadd.s32 $0x88, s3;
	s6 =	simm.s32 @!p1 $0x1082;
	[sflag:s4] =	ssyncset.s32 $0xFFFFF086  }
0x25: {  	[simem:s6], [sflag:s4] =	dma.local [hbm:s3], $0xF7A  }
0x26: {  	[smem:$0x3F9C] =	sst s1;
	(tag) =	ssettag s2;
	_ =	strace s9  }
0x27: {  	s1 =	sld [smem:$0x3FAC]  }
0x28: {  	s2 =	sld [smem:$0x3FAD]  }
0x29: {  	s4 =	sld [smem:$0x3FAF]  }
0x2a: {  	p0 =	seq.s32 s5, $0x0;
	s5 =	sld [smem:$0x3FB0]  }
0x2b: {  	s6 =	sld [smem:$0x3FB1]  }
0x2c: {  	s7 =	sld [smem:$0x3FB2]  }
0x2d: {  	s3 =	simm.s32 $0x108;
	s8 =	sld [smem:$0x3FB3]  }
0x2e: {  	s3 =	simm.s32 @!p0 $0x1082;
	s9 =	sld [smem:$0x3FB4]  }
0x2f: {  	lr =	sadd.s32 s0, s3;
	s0 =	sld [smem:$0x3FAB]  }
0x30: {  	s3 =	sld [smem:$0x3FAE]  }
0x31: {  	[smem:$0x3FB7] =	sst s10  }
0x32: {  	s10 =	sld [smem:$0x3FB5];
	_ =	sdelay $0x3  }
0x33: {  	p0 =	seq.s32 s10, $0x1;
	s10 =	sld [smem:$0x3FB7];
	_ =	sdelay $0x3  }
0x34: {  	[smem:$0x3FB7] =	sst s10  }
0x35: {  	s10 =	sld [smem:$0x3FB6];
	_ =	sdelay $0x3  }
0x36: {  	p1 =	seq.s32 s10, $0x1;
	s10 =	sld [smem:$0x3FB7];
	_ =	sdelay $0x3  }
0x37: {  	[smem:$0x3FB7] =	sst s10  }
0x38: {  	s10 =	sld [smem:$0x3FB8]  }
0x39: {  	_ = 	snop;
	(pc) =	sbr.ind lr, $3  }
0x3a: {  	_ = 	snop  }
0x3b: {  	_ = 	snop  }
0x3c: {  	p2 =	seq.s32 s10, $0x1;
	s10 =	sld [smem:$0x3FB7]  }
0x3d: {  	_ =	shalt  }
0x3e: {  	_ =	shalt  }
0x3f: {  	_ =	shalt  }
0x40: {  	_ =	shalt  }
0x41: {  	_ =	shalt  }
0x42: {  	_ =	shalt  }
0x43: {  	_ =	shalt  }
0x44: {  	_ =	shalt  }
0x45: {  	_ =	shalt  }
0x46: {  	_ =	shalt  }
0x47: {  	_ =	shalt  }
0x48: {  	_ =	shalt  }
0x49: {  	_ =	shalt  }
0x4a: {  	_ =	shalt  }
0x4b: {  	_ =	shalt  }
0x4c: {  	_ =	shalt  }
0x4d: {  	_ =	shalt  }
0x4e: {  	_ =	shalt  }
0x4f: {  	_ =	shalt  }
0x50: {  	_ =	shalt  }
0x51: {  	_ =	shalt  }
0x52: {  	_ =	shalt  }
0x53: {  	_ =	shalt  }
0x54: {  	_ =	shalt  }
0x55: {  	_ =	shalt  }
0x56: {  	_ =	shalt  }
0x57: {  	_ =	shalt  }
0x58: {  	_ =	shalt  }
0x59: {  	_ =	shalt  }
0x5a: {  	_ =	shalt  }
0x5b: {  	_ =	shalt  }
0x5c: {  	_ =	shalt  }
0x5d: {  	_ =	shalt  }
0x5e: {  	_ =	shalt  }
0x5f: {  	_ =	shalt  }
0x60: {  	_ =	shalt  }
0x61: {  	_ =	shalt  }
0x62: {  	_ =	shalt  }
0x63: {  	_ =	shalt  }
0x64: {  	_ =	shalt  }
0x65: {  	_ =	shalt  }
0x66: {  	_ =	shalt  }
0x67: {  	_ =	shalt  }
0x68: {  	_ =	shalt  }
0x69: {  	_ =	shalt  }
0x6a: {  	_ =	shalt  }
0x6b: {  	_ =	shalt  }
0x6c: {  	_ =	shalt  }
0x6d: {  	_ =	shalt  }
0x6e: {  	_ =	shalt  }
0x6f: {  	_ =	shalt  }
0x70: {  	_ =	shalt  }
0x71: {  	_ =	shalt  }
0x72: {  	_ =	shalt  }
0x73: {  	_ =	shalt  }
0x74: {  	_ =	shalt  }
0x75: {  	_ =	shalt  }
0x76: {  	_ =	shalt  }
0x77: {  	_ =	shalt  }
0x78: {  	_ =	shalt  }
0x79: {  	_ =	shalt  }
0x7a: {  	_ =	shalt  }
0x7b: {  	_ =	shalt  }
0x7c: {  	_ =	shalt  }
0x7d: {  	_ =	shalt  }
0x7e: {  	_ =	shalt  }
0x7f: {  	_ =	shalt  }
0x80: {  	_ =	shalt  }
0x81: {  	_ =	shalt  }
0x82: {  	_ =	shalt  }
0x83: {  	_ =	shalt  }
0x84: {  	_ =	shalt  }
0x85: {  	_ =	shalt  }
0x86: {  	_ =	shalt  }
0x87: {  	_ =	shalt  }
.Lfunc_end0:
.L_simem_size_0:
called_computation_lowered:
.L_overlay_start_0:
0x88: {  	s2 =	sld [smem:$0x3FD9]  }
0x89: {  	s3 =	sld [smem:$0x3FFE];
	_ =	sdelay $0x1  }
0x8a: {  	s1 =	srdreg.scid  }
0x8b: {  	s0 =	sand.u32 $0x1, s1  }
0x8c: {  	s14 =	sshll.u32 s0, $0xA;
	s2 =	sadd.s32 s3, s2  }
0x8d: {  	s2 =	sadd.s32 s2, s14  }
0x8e: {  	[smem:$0x3FC3] =	sst s2  }
0x8f: {  	_ = 	snop  }
0x90: {  	s2 =	sld [smem:$0x3FD0];
	_ =	sdelay $0x2  }
0x91: {  	s15 =	simm.s32 $0xA;
	s4 =	simm.s32 $0x10  }
0x92: {  	[smem:s4], [sflag:s15] =	dma.local [hbm:s2], $0x1  }
0x93: {  	_ =	swait.eq [sflag:s15], $0x1  }
0x94: {  	[sflag:s15] =	ssyncset.done $0x0  }
0x95: {  	s16 =	sld [smem:$0x10];
	[sflag:s15] =	ssyncadd.s32 $0xFFFFFFFF  }
0x96: {  	s17 =	sld [smem:$0x11];
	(tm) =	ssettm $0x1  }
0x97: {  	s18 =	sld [smem:$0x3FFB];
	_ =	sdelay $0x3  }
0x98: {  	_ =	strace s18  }
0x99: {  	s4 =	sld [smem:$0x3FFC];
	_ =	sdelay $0x3  }
0x9a: {  	_ =	strace s4  }
0x9b: {  	s4 =	sld [smem:$0x3FFD];
	_ =	sdelay $0x3  }
0x9c: {  	_ =	strace s4  }
0x9d: {  	_ =	strace $0x8FFFFFFF  }
0x9e: {  	s19 =	sld [smem:$0x3FDB];
	_ =	sdelay $0x1  }
0x9f: {  	s5 =	simm.s32 $_scs_section_size  }
0xa0: {  	s6 =	simm.s32 $_size__tile_overlayer_lowered;
	s7 =	simm.s32 $_tile_overlayer_lowered  }
0xa1: {  	s22 =	simm.s32 $0x1BFF;
	s21 =	sshll.u32 s7, $0x1;
	s4 =	sadd.s32 s5, s19  }
0xa2: {  	s8 =	simm.s32 $0x0;
	s20 =	sshll.u32 s6, $0x1;
	s6 =	sadd.s32 s21, s4  }
0xa3: {  	[timem:s8], [sflag:s22] =	dma.local [hbm:s6], s20  }
0xa4: {  	_ =	swait.ge [sflag:s22], s20  }
0xa5: {  	s5 =	ssub.s32 $0x0, s20;
	[sflag:s22] =	ssyncset.done $0x0  }
0xa6: {  	[sflag:s22] =	ssyncadd.s32 s5;
	_ =	sdelay $0x1  }
0xa7: {  	s23 =	simm.s32 $0x1B8B  }
0xa8: {  	_ =	swait.ge [sflag:s23], $0x1  }
0xa9: {  	[sflag:s23] =	ssyncset.done $0x0  }
0xaa: {  	s25 =	simm.s32 $0x1B8E;
	s24 =	sld [smem:$0x3FFE];
	[sflag:s23] =	ssyncadd.s32 $0xFFFFFFFF  }
0xab: {  	s26 =	simm.s32 $execute0_lowered;
	[smem:$0x3FD2] =	sst s25  }
0xac: {  	s6 =	sshll.u32 s26, $0x1;
	_ =	strace $0x80000046;
	[dreg:$0x1] =	wrdreg $0xFFFFFFFF  }
0xad: {  	s28 =	simm.s32 $_size_execute0_lowered;
	s4 =	sadd.s32 s4, s6;
	[dreg:$0x0] =	wrdreg $0x0  }
0xae: {  	s6 =	sshll.u32 s28, $0x1;
	[dreg:$0x2] =	wrdreg s4  }
0xaf: {  	[dreg:$0x3] =	wrdreg s6  }
0xb0: {  	[dreg:$0x4] =	wrdreg $0xC0  }
0xb1: {  	_ =	task [dreg:s8], $0x5FFFF  }
0xb2: {  	[dreg:$0x1] =	wrdreg $0xFFFFFFFF  }
0xb3: {  	[dreg:$0x0] =	wrdreg $0x60  }
0xb4: {  	[dreg:$0x2] =	wrdreg s17  }
0xb5: {  	[dreg:$0x3] =	wrdreg s16  }
0xb6: {  	[dreg:$0x4] =	wrdreg s24  }
0xb7: {  	[dreg:$0x5] =	wrdreg $0x9  }
0xb8: {  	_ =	task.clear_ibuf [dreg:s8], $0x6FFFF;
	_ =	strace $0x90000046  }
0xb9: {  	s29 =	simm.s32 $0x9;
	_ =	strace $0x80000048  }
0xba: {  	_ =	swait.ge [sflag:s29], $0x1  }
0xbb: {  	[sflag:s29] =	ssyncadd.s32 $0xFFFFFFFF  }
0xbc: {  	_ =	strace $0x90000048  }
0xbd: {  	_ =	sfence  }
0xbe: {  	s30 =	sld [smem:$0x0];
	_ =	sdelay $0x2  }
0xbf: {  	s31 =	sshll.u32 s1, $0xD;
	s1 =	sshrl.u32 s1, $0x2  }
0xc0: {  	s3 =	sand.u32 $0x4000, s31;
	s1 =	sadd.s32 s1, s30  }
0xc1: {  	s0 =	sor.u32 s3, s0;
	s1 =	sshll.u32 s1, $0x11  }
0xc2: {  	s0 =	sor.u32 s1, s0  }
0xc3: {  	s0 =	sadd.s32 $0x8F2B, s0  }
0xc4: {  	[sflag:s0] =	ssyncadd.remote.s32 $0x1  }
0xc5: {  	_ =	sfence.sel $0xFFFF  }
0xc6: {  	[dreg:$0x0] =	wrdreg $0xFFFFFFFF;
	(pc) =	sbr.abs _section_cstart, $3  }
0xc7: {  	[dreg:$0x1] =	wrdreg $0xFFFFFFFF  }
0xc8: {  	_ =	task.clear_ibuf [dreg:s8], $0x2FFFF;
	_ =	strace $0x9FFFFFFF  }
0xc9: {  	(tm) =	ssettm $0x7FFFFFFF  }
tec
execute0_lowered:
.L_overlay_start_1:
0x0: {  	(tag) =	ssettag $0x1  }
0x1: {  	s1 =	rddreg [dreg:$0x0]  }
0x2: {  	s2 =	rddreg [dreg:$0x1]  }
0x3: {  	s0 =	rddreg [dreg:$0x2];
	s3 =	simm.s32 $0x0  }
0x4: {  	s11 =	stileid.u32;
	s19 =	srdreg.scid;
	s23 =	simm.s32 $0x19000  }
0x5: {  	s24 =	simm.s32 $0x1A000;
	s25 =	simm.s32 $0x1;
	s31 =	simm.s32 $0x1B000  }
0x6: {  	s28 =	simm.s32 $0x8000;
	s29 =	simm.s32 $0xC000;
	s30 =	simm.s32 $0x10000  }
0x7: {  	[smem:$0x7FF] =	sst s3;
	s4 =	sadd.s32 $0x43800, s0;
	s6 =	sadd.s32 $0xC3800, s0  }
0x8: {  	s16 =	sadd.s32 $0x103800, s0;
	_ =	strace $0x80000047;
	[dreg:$0x4] =	wrdreg s6  }
0x9: {  	s5 =	sadd.s32 $0x3800, s0;
	s17 =	sadd.s32 $0x143800, s0;
	[dreg:$0x5] =	wrdreg s16  }
0xa: {  	s7 =	sadd.s32 $0x83800, s0;
	s18 =	sadd.s32 $0x183800, s0;
	[dreg:$0x6] =	wrdreg s17  }
0xb: {  	s8 =	sshll.u32 s11, $0x5;
	s0 =	sadd.s32 $0x1C3800, s0;
	[dreg:$0x7] =	wrdreg s18  }
0xc: {  	s22 =	sshll.u32 s11, $0xE;
	s6 =	sand.u32 $0x1, s19;
	[dreg:$0x9] =	wrdreg s0  }
0xd: {  	s9 =	smax.u32 s8, $0x10;
	s8 =	smin.u32 s8, $0x1D0;
	[dreg:$0xa] =	wrdreg s22  }
0xe: {  	s10 =	ssub.s32 $0x2, s6;
	s12 =	sshll.u32 s9, $0x9;
	s8 =	sshll.u32 s8, $0x9  }
0xf: {  	s6 =	sshll.u32 s6, $0x14;
	s20 =	sshrl.u32 s10, $0x1;
	s13 =	sadd.s32 $0xFFFFE000, s12  }
0x10: {  	s14 =	sadd.s32 $0x6000, s8;
	[dreg:$0xb] =	wrdreg s6;
	s26 =	sadd.s32 $0xFFFFF000, s12  }
.Ltmp0:
0x11: {  	s6 =	simm.s32 $0x1D000;
	[dreg:$0x8] =	wrdreg s13;
	(pc) =	sbr.rel .LBB2_1-.Ltmp0, $4  }
0x12: {  	s21 =	ssub.s32 s10, s20;
	s8 =	ssub.s32 s14, s13;
	[dreg:$0xc] =	wrdreg s26  }
0x13: {  	s26 =	simm.s32 $0x2;
	s20 =	simm.s32 $0x4000;
	s10 =	simm.s32 $0x0  }
0x14: {  	v1 =	vimm.f32 $+Inf;
	v2 =	vimm.f32 $0.0e+00;
	s18 =	sshra.s32 s8, $0xD;
	s0 =	smax.u32 s21, $0x1;
	s8 =	simm.s32 $0x3  }
0x15: {  	v3 =	vimm.s32 $0x0;
	v4 =	vimm.f32 $1.000000000e+00;
	v0 =	vmov s22;
	[dreg:$0xd] =	wrdreg s0;
	p0 =	slt.s32 s18, $0x1;
	s0 =	simm.s32 $0x1C000  }
.LBB2_27:
0x16: {  	s10 =	rddreg [dreg:$0xe]  }
0x17: {  	s9 =	rddreg [dreg:$0xd];
	s10 =	sadd.s32 $0x1, s10  }
0x18: {  	p1 =	sne.s32 s10, s9  }
.Ltmp1:
0x19: {  	_ = 	snop;
	(pc) =	sbr.rel @!p1 .LBB2_28-.Ltmp1, $1  }
0x1a: {  	_ =	sdelay $0x3  }
.LBB2_1:
.Ltmp2:
0x1b: {  	(pc) =	sbr.rel .LBB2_2-.Ltmp2, $2  }
0x1c: {  	_ =	sdelay $0x2  }
0x1d: {  	[dreg:$0xe] =	wrdreg s10;
	s9 =	simm.s32 $0x0  }
.LBB2_26:
0x1e: {  	s11 =	rddreg [dreg:$0xa]  }
0x1f: {  	s10 =	sor.u32 s11, s10  }
0x20: {  	s16 =	rddreg [dreg:$0x4];
	s10 =	sshrl.u32 s10, $0x3  }
0x21: {  	s17 =	rddreg [dreg:$0x5];
	s11 =	sadd.s32 s16, s10  }
0x22: {  	[hbm4b:s11+s3] =	stream.linear.scatter [tilespmem:s28], [sflag:$0x3], $0x4000, $0x38;
	[tilespmem:$0x1E000] =	vst v63  }
0x23: {  	s19 =	rddreg [dreg:$0x6];
	s11 =	sadd.s32 s17, s10  }
0x24: {  	[hbm4b:s11+s3] =	stream.linear.scatter [tilespmem:s29], [sflag:$0x3], $0x4000, $0x38;
	[tilespmem:$0x1E000] =	vst v63  }
0x25: {  	s21 =	rddreg [dreg:$0x7];
	s11 =	sadd.s32 s19, s10  }
0x26: {  	[hbm4b:s11+s3] =	stream.linear.scatter [tilespmem:s30], [sflag:$0x3], $0x4000, $0x38;
	[tilespmem:$0x1E000] =	vst v63  }
0x27: {  	s22 =	rddreg [dreg:$0x9];
	s11 =	sadd.s32 s21, s10  }
0x28: {  	[hbm4b:s11+s3] =	stream.linear.scatter [tilespmem:s20], [sflag:$0x3], $0x4000, $0x38;
	[tilespmem:$0x1E000] =	vst v63  }
0x29: {  	s10 =	sadd.s32 s22, s10  }
0x2a: {  	[hbm4b:s10+s3] =	stream.linear.scatter [tilespmem:s3], [sflag:$0x3], $0x4000, $0x38;
	[tilespmem:$0x1E000] =	vst v63  }
0x2b: {  	_ =	swait.ge [sflag:s8], $0x4000  }
0x2c: {  	[sflag:s8] =	ssyncset.done $0x0  }
0x2d: {  	[sflag:s8] =	ssyncadd.s32 $0xFFFFC000  }
0x2e: {  	_ =	swait.ge [sflag:s8], $0x4000  }
0x2f: {  	[sflag:s8] =	ssyncset.done $0x0  }
0x30: {  	[sflag:s8] =	ssyncadd.s32 $0xFFFFC000  }
0x31: {  	_ =	swait.ge [sflag:s8], $0x4000  }
0x32: {  	[sflag:s8] =	ssyncset.done $0x0  }
0x33: {  	s9 =	sadd.s32 $0x1, s9;
	[sflag:s8] =	ssyncadd.s32 $0xFFFFC000  }
0x34: {  	p1 =	sne.s32 s9, $0x4;
	_ =	swait.ge [sflag:s8], $0x4000  }
.Ltmp3:
0x35: {  	[sflag:s8] =	ssyncset.done $0x0;
	(pc) =	sbr.rel @!p1 .LBB2_27-.Ltmp3, $4  }
0x36: {  	[sflag:s8] =	ssyncadd.s32 $0xFFFFC000  }
0x37: {  	_ =	swait.ge [sflag:s8], $0x4000  }
0x38: {  	[sflag:s8] =	ssyncset.done $0x0  }
0x39: {  	[sflag:s8] =	ssyncadd.s32 $0xFFFFC000  }
.LBB2_2:
0x3a: {  	s10 =	simm.s32 $0x40;
	s11 =	simm.s32 $0x0  }
.LBB2_3:
0x3b: {  	p1 =	sne.s32 s10, $0xFFC0;
	[tilespmem:s11+$0x10000] =	vst v2;
	s13 =	smov.u32 s10;
	s10 =	sadd.s32 $0x40, s10  }
.Ltmp4:
0x3c: {  	[tilespmem:s11+$0xC000] =	vst v2;
	(pc) =	sbr.rel @p1 .LBB2_3-.Ltmp4, $4  }
0x3d: {  	[tilespmem:s11+$0x8000] =	vst v2  }
0x3e: {  	[tilespmem:s11+$0x0] =	vst v1  }
0x3f: {  	[tilespmem:s11+$0x4000] =	vst v2  }
0x40: {  	s11 =	sshra.s32 s13, $0x2  }
0x41: {  	s10 =	sshll.u32 s9, $0x12;
	s13 =	rddreg [dreg:$0xb]  }
0x42: {  	[tilespmem:s11+$0x10000] =	vst v2;
	s16 =	rddreg [dreg:$0x8];
	s10 =	sadd.s32 s13, s10  }
0x43: {  	[tilespmem:s11+$0xC000] =	vst v2;
	s13 =	sadd.s32 s16, s10  }
0x44: {  	[tilespmem:s11+$0x8000] =	vst v2;
	s13 =	sshrl.u32 s13, $0x3  }
.Ltmp5:
0x45: {  	[tilespmem:s11+$0x0] =	vst v1;
	s22 =	rddreg [dreg:$0xc];
	s15 =	sadd.s32 s1, s13;
	(pc) =	sbr.rel @p0 .LBB2_19-.Ltmp5, $4  }
0x46: {  	[tilespmem:s11+$0x4000] =	vst v2;
	s17 =	simm.s32 $0x14000;
	s19 =	sadd.s32 s2, s13;
	[dreg:$0xf] =	wrdreg s15  }
0x47: {  	[tilespmem:s17], [sflag:$0x1] =	stream.linear.gather [hbm4b:s15+s3], $0x1000, $0x38;
	[tilespmem:$0x1E000] =	vst v63  }
0x48: {  	s21 =	simm.s32 $0x15000;
	s11 =	sadd.s32 s10, s22;
	[dreg:$0x10] =	wrdreg s19  }
0x49: {  	[tilespmem:s21], [sflag:$0x1] =	stream.linear.gather [hbm4b:s19+s3], $0x1000, $0x38;
	[tilespmem:$0x1E000] =	vst v63  }
.Ltmp6:
0x4a: {  	(pc) =	sbr.rel .LBB2_6-.Ltmp6, $2  }
0x4b: {  	_ =	sdelay $0x2  }
0x4c: {  	s17 =	simm.s32 $0x0;
	s19 =	simm.s32 $0x0  }
.LBB2_18:
0x4d: {  	s19 =	sadd.s32 $0x1, s19  }
0x4e: {  	p1 =	sne.s32 s19, s18  }
.Ltmp7:
0x4f: {  	_ = 	snop;
	(pc) =	sbr.rel @!p1 .LBB2_19-.Ltmp7, $1  }
0x50: {  	_ =	sdelay $0x3  }
.LBB2_6:
0x51: {  	s21 =	sshll.u32 s19, $0xD  }
0x52: {  	s15 =	sadd.s32 s21, s11  }
0x53: {  	s15 =	sshrl.u32 s15, $0x3  }
0x54: {  	s22 =	sadd.s32 s1, s15  }
0x55: {  	[tilespmem:s23], [sflag:$0x2] =	stream.linear.gather [hbm4b:s22+s17], $0x1000, $0x38;
	[tilespmem:$0x1E000] =	vst v63  }
0x56: {  	s15 =	sadd.s32 s2, s15  }
0x57: {  	[tilespmem:s24], [sflag:$0x2] =	stream.linear.gather [hbm4b:s15+s17], $0x1000, $0x38;
	[tilespmem:$0x1E000] =	vst v63  }
0x58: {  	_ =	swait.ge [sflag:s25], $0x1000  }
0x59: {  	[sflag:s25] =	ssyncset.done $0x0  }
0x5a: {  	[sflag:s25] =	ssyncadd.s32 $0xFFFFF000  }
0x5b: {  	_ =	swait.ge [sflag:s25], $0x1000  }
0x5c: {  	[sflag:s25] =	ssyncset.done $0x0  }
0x5d: {  	s22 =	simm.s32 $0x0;
	[sflag:s25] =	ssyncadd.s32 $0xFFFFF000  }
0x5e: {  	v5 =	vld [tilespmem:s22+$0x14000];
	_ =	sdelay $0x4  }
0x5f: {  	v5 =	vsub.s32 v5, v0  }
0x60: {  	vm0 =	vlt.u32 v5, $0x4000  }
0x61: {  	v6 =	vnsel vm0, $0x0, v5;
	_ =	sdelay $0x3  }
0x62: {  	v7 =	vld [tilespmem:s22+$0x15000]  }
0x63: {  	v5 =	vld.idx.msk [tilespmem:v6+s3+$0x0], vm0;
	_ =	sdelay $0x4  }
0x64: {  	vm1 =	vlt.f32 v7, v5  }
0x65: {  	vm0 =	vmand vm0, vm1;
	_ =	sdelay $0x5  }
0x66: {  	s15 =	simm.s32 $0x10;
	s22 =	simm.s32 $0x80;
	v5 =	vimm.s32 $0x0;
	[tilespmem:v6+s3+$0x0] =	vst.idx.msk vm0, v7  }
.LBB2_7:
0x67: {  	p1 =	sne.s32 s22, $0x3FC0;
	v8 =	vld [tilespmem:s15+$0x14000]  }
0x68: {  	v9 =	vld.idx.msk [tilespmem:v6+s3+$0x0], vm0;
	_ =	sdelay $0x3  }
0x69: {  	v6 =	vsub.s32 v8, v0  }
0x6a: {  	vm1 =	vlt.u32 v6, $0x4000  }
0x6b: {  	vm2 =	vlt.f32 v7, v9;
	v6 =	vnsel vm1, $0x0, v6  }
0x6c: {  	vm0 =	vmand vm0, vm2  }
0x6d: {  	v7 =	vsel vm0, $0x1, v3  }
0x6e: {  	v5 =	vor.u32 v7, v5;
	_ =	sdelay $0x1  }
0x6f: {  	v8 =	vld.idx.msk [tilespmem:v6+s3+$0x0], vm1  }
0x70: {  	v7 =	vld [tilespmem:s15+$0x15000];
	_ =	sdelay $0x4  }
0x71: {  	vm0 =	vlt.f32 v7, v8  }
0x72: {  	vm0 =	vmand vm1, vm0;
	_ =	sdelay $0x1  }
.Ltmp8:
0x73: {  	(pc) =	sbr.rel @p1 .LBB2_7-.Ltmp8, $2  }
0x74: {  	_ =	sdelay $0x2  }
0x75: {  	s15 =	sshra.s32 s22, $0x2;
	s22 =	sadd.s32 $0x40, s22;
	[tilespmem:v6+s3+$0x0] =	vst.idx.msk vm0, v7  }
0x76: {  	v8 =	vld [tilespmem:s15+$0x14000];
	_ =	sdelay $0x4  }
0x77: {  	v8 =	vsub.s32 v8, v0  }
0x78: {  	vm1 =	vlt.u32 v8, $0x4000  }
0x79: {  	v8 =	vnsel vm1, $0x0, v8;
	_ =	sdelay $0x3  }
0x7a: {  	v10 =	vld [tilespmem:s15+$0x15000]  }
0x7b: {  	v9 =	vld.idx.msk [tilespmem:v8+s3+$0x0], vm1;
	_ =	sdelay $0x4  }
0x7c: {  	vm2 =	vlt.f32 v10, v9  }
0x7d: {  	vm1 =	vmand vm1, vm2;
	_ =	sdelay $0x5  }
0x7e: {  	v6 =	vld.idx.msk [tilespmem:v6+s3+$0x0], vm0;
	[tilespmem:v8+s3+$0x0] =	vst.idx.msk vm1, v10  }
0x7f: {  	v8 =	vld.idx.msk [tilespmem:v8+s3+$0x0], vm1;
	_ =	sdelay $0x3  }
0x80: {  	vm11 =	vlt.f32 v7, v6  }
0x81: {  	vm12 =	vmand vm0, vm11;
	vm13 =	vlt.f32 v10, v8  }
0x82: {  	v6 =	vsel vm12, $0x1, v3;
	vm14 =	vmand vm1, vm13  }
0x83: {  	v5 =	vor.u32 v6, v5;
	v6 =	vsel vm14, $0x1, v3  }
0x84: {  	v5 =	vor.u32 v6, v5  }
0x85: {  	vm15 =	vne.s32 v5, $0x0  }
0x86: {  	v5 =	vmpcnt.ones.xlane vm15;
	_ =	sdelay $0x1  }
0x87: {  	(v2sf) =	vpush v5, $0x0;
	_ =	sdelay $0xe  }
0x88: {  	s22 =	spop (v2sf)  }
0x89: {  	p1 =	slt.s32 s22, $0x1  }
.Ltmp9:
0x8a: {  	_ = 	snop;
	(pc) =	sbr.rel @!p1 .LBB2_9-.Ltmp9, $2  }
0x8b: {  	_ =	sdelay $0x2  }
0x8c: {  	s15 =	simm.s32 $0x0  }
.LBB2_12:
0x8d: {  	s15 =	sadd.s32 s12, s21  }
0x8e: {  	p1 =	sge.s32 s15, s14  }
0x8f: {  	s15 =	sadd.s32 @!p1 s10, s15  }
0x90: {  	s15 =	sshrl.u32 @!p1 s15, $0x3  }
0x91: {  	s22 =	simm.s32 @!p1 $0x0;
	s16 =	simm.s32 @!p1 $0x14000;
	s21 =	sadd.s32 @!p1 s1, s15  }
0x92: {  	[tilespmem:s16], [sflag:$0x1] =	stream.linear.gather @!p1 [hbm4b:s21+s22], $0x1000, $0x38;
	[tilespmem:$0x1E000] =	vst v63  }
0x93: {  	s15 =	sadd.s32 @!p1 s2, s15;
	s16 =	simm.s32 @!p1 $0x15000  }
0x94: {  	[tilespmem:s16], [sflag:$0x1] =	stream.linear.gather @!p1 [hbm4b:s15+s22], $0x1000, $0x38;
	[tilespmem:$0x1E000] =	vst v63  }
0x95: {  	_ =	swait.ge [sflag:s26], $0x1000  }
0x96: {  	[sflag:s26] =	ssyncset.done $0x0  }
0x97: {  	[sflag:s26] =	ssyncadd.s32 $0xFFFFF000  }
0x98: {  	_ =	swait.ge [sflag:s26], $0x1000  }
0x99: {  	[sflag:s26] =	ssyncset.done $0x0  }
0x9a: {  	s22 =	simm.s32 $0x0;
	[sflag:s26] =	ssyncadd.s32 $0xFFFFF000  }
0x9b: {  	v5 =	vld [tilespmem:s22+$0x19000];
	_ =	sdelay $0x4  }
0x9c: {  	v5 =	vsub.s32 v5, v0  }
0x9d: {  	vm0 =	vlt.u32 v5, $0x4000  }
0x9e: {  	v6 =	vnsel vm0, $0x0, v5;
	_ =	sdelay $0x3  }
0x9f: {  	v7 =	vld [tilespmem:s22+$0x1A000]  }
0xa0: {  	v5 =	vld.idx.msk [tilespmem:v6+s3+$0x0], vm0;
	_ =	sdelay $0x4  }
0xa1: {  	vm1 =	vlt.f32 v7, v5  }
0xa2: {  	vm0 =	vmand vm0, vm1;
	_ =	sdelay $0x5  }
0xa3: {  	s21 =	simm.s32 $0x80;
	s15 =	simm.s32 $0x10;
	v5 =	vimm.s32 $0x0;
	[tilespmem:v6+s3+$0x0] =	vst.idx.msk vm0, v7  }
.LBB2_13:
0xa4: {  	p1 =	sne.s32 s21, $0x3FC0;
	v8 =	vld [tilespmem:s15+$0x19000]  }
0xa5: {  	v9 =	vld.idx.msk [tilespmem:v6+s3+$0x0], vm0;
	_ =	sdelay $0x3  }
0xa6: {  	v6 =	vsub.s32 v8, v0  }
0xa7: {  	vm1 =	vlt.u32 v6, $0x4000  }
0xa8: {  	vm2 =	vlt.f32 v7, v9;
	v6 =	vnsel vm1, $0x0, v6  }
0xa9: {  	vm0 =	vmand vm0, vm2  }
0xaa: {  	v7 =	vsel vm0, $0x1, v3  }
0xab: {  	v5 =	vor.u32 v7, v5;
	_ =	sdelay $0x1  }
0xac: {  	v8 =	vld.idx.msk [tilespmem:v6+s3+$0x0], vm1  }
0xad: {  	v7 =	vld [tilespmem:s15+$0x1A000];
	_ =	sdelay $0x4  }
0xae: {  	vm0 =	vlt.f32 v7, v8  }
0xaf: {  	vm0 =	vmand vm1, vm0;
	_ =	sdelay $0x1  }
.Ltmp10:
0xb0: {  	(pc) =	sbr.rel @p1 .LBB2_13-.Ltmp10, $2  }
0xb1: {  	_ =	sdelay $0x2  }
0xb2: {  	s15 =	sshra.s32 s21, $0x2;
	s21 =	sadd.s32 $0x40, s21;
	[tilespmem:v6+s3+$0x0] =	vst.idx.msk vm0, v7  }
0xb3: {  	v8 =	vld [tilespmem:s15+$0x19000];
	_ =	sdelay $0x4  }
0xb4: {  	v8 =	vsub.s32 v8, v0  }
0xb5: {  	vm1 =	vlt.u32 v8, $0x4000  }
0xb6: {  	v8 =	vnsel vm1, $0x0, v8;
	_ =	sdelay $0x3  }
0xb7: {  	v10 =	vld [tilespmem:s15+$0x1A000]  }
0xb8: {  	v9 =	vld.idx.msk [tilespmem:v8+s3+$0x0], vm1;
	_ =	sdelay $0x4  }
0xb9: {  	vm2 =	vlt.f32 v10, v9  }
0xba: {  	vm1 =	vmand vm1, vm2;
	_ =	sdelay $0x5  }
0xbb: {  	v6 =	vld.idx.msk [tilespmem:v6+s3+$0x0], vm0;
	[tilespmem:v8+s3+$0x0] =	vst.idx.msk vm1, v10  }
0xbc: {  	v8 =	vld.idx.msk [tilespmem:v8+s3+$0x0], vm1;
	_ =	sdelay $0x3  }
0xbd: {  	vm11 =	vlt.f32 v7, v6  }
0xbe: {  	vm12 =	vmand vm0, vm11;
	vm13 =	vlt.f32 v10, v8  }
0xbf: {  	v6 =	vsel vm12, $0x1, v3;
	vm14 =	vmand vm1, vm13  }
0xc0: {  	v5 =	vor.u32 v6, v5;
	v6 =	vsel vm14, $0x1, v3  }
0xc1: {  	v5 =	vor.u32 v6, v5  }
0xc2: {  	vm15 =	vne.s32 v5, $0x0  }
0xc3: {  	v5 =	vmpcnt.ones.xlane vm15;
	_ =	sdelay $0x1  }
0xc4: {  	(v2sf) =	vpush v5, $0x0;
	_ =	sdelay $0xe  }
0xc5: {  	s22 =	spop (v2sf)  }
0xc6: {  	p1 =	slt.s32 s22, $0x1  }
.Ltmp11:
0xc7: {  	_ = 	snop;
	(pc) =	sbr.rel @!p1 .LBB2_15-.Ltmp11, $4  }
.Ltmp12:
0xc8: {  	_ = 	snop;
	(pc) =	sbr.rel @p1 .LBB2_18-.Ltmp12, $4  }
0xc9: {  	_ = 	snop  }
0xca: {  	_ = 	snop  }
0xcb: {  	s15 =	simm.s32 $0x0  }
0xcc: {  	_ = 	snop  }
.LBB2_11:
0xcd: {  	s15 =	sadd.s32 $0x1, s15  }
0xce: {  	p1 =	sne.s32 s15, $0x100  }
.Ltmp13:
0xcf: {  	_ = 	snop;
	(pc) =	sbr.rel @!p1 .LBB2_12-.Ltmp13, $1  }
0xd0: {  	_ =	sdelay $0x3  }
.LBB2_9:
0xd1: {  	s22 =	sshll.u32 s15, $0x4  }
0xd2: {  	v5 =	vld [tilespmem:s22+$0x14000];
	_ =	sdelay $0x4  }
0xd3: {  	v5 =	vsub.s32 v5, v0  }
0xd4: {  	vm0 =	vlt.u32 v5, $0x4000  }
0xd5: {  	v5 =	vnsel vm0, $0x0, v5;
	_ =	sdelay $0x3  }
0xd6: {  	v6 =	vld [tilespmem:s22+$0x15000]  }
0xd7: {  	v7 =	vld.idx.msk [tilespmem:v5+s3+$0x0], vm0;
	_ =	sdelay $0x4  }
0xd8: {  	vm1 =	vlt.f32 v6, v7  }
0xd9: {  	vm0 =	vmand vm0, vm1  }
0xda: {  	v7 =	vmpcnt.ones.xlane vm0;
	_ =	sdelay $0x1  }
0xdb: {  	(v2sf) =	vpush v7, $0x0;
	_ =	sdelay $0xe  }
0xdc: {  	s16 =	spop (v2sf)  }
0xdd: {  	p1 =	slt.s32 s16, $0x1  }
.Ltmp14:
0xde: {  	_ = 	snop;
	(pc) =	sbr.rel @p1 .LBB2_11-.Ltmp14, $1  }
0xdf: {  	_ =	sdelay $0x3  }
.LBB2_10:
0xe0: {  	[tilespmem:v5+s3+$0x0] =	vst.idx.msk vm0, v6  }
0xe1: {  	v7 =	vld.idx.msk [tilespmem:v5+s3+$0x0], vm0;
	_ =	sdelay $0x4  }
0xe2: {  	vm1 =	vlt.f32 v6, v7  }
0xe3: {  	vm0 =	vmand vm0, vm1  }
0xe4: {  	v7 =	vmpcnt.ones.xlane vm0;
	_ =	sdelay $0x1  }
0xe5: {  	(v2sf) =	vpush v7, $0x0;
	_ =	sdelay $0xe  }
0xe6: {  	s22 =	spop (v2sf)  }
0xe7: {  	p1 =	sgt.s32 s22, $0x0  }
.Ltmp15:
0xe8: {  	_ = 	snop;
	(pc) =	sbr.rel @p1 .LBB2_10-.Ltmp15, $1  }
0xe9: {  	_ =	sdelay $0x3  }
.Ltmp16:
0xea: {  	_ = 	snop;
	(pc) =	sbr.rel .LBB2_11-.Ltmp16, $1  }
0xeb: {  	_ =	sdelay $0x3  }
.LBB2_17:
0xec: {  	s15 =	sadd.s32 $0x1, s15  }
0xed: {  	p1 =	sne.s32 s15, $0x100  }
.Ltmp17:
0xee: {  	_ = 	snop;
	(pc) =	sbr.rel @!p1 .LBB2_18-.Ltmp17, $1  }
0xef: {  	_ =	sdelay $0x3  }
.LBB2_15:
0xf0: {  	s16 =	sshll.u32 s15, $0x4  }
0xf1: {  	v5 =	vld [tilespmem:s16+$0x19000];
	_ =	sdelay $0x4  }
0xf2: {  	v5 =	vsub.s32 v5, v0  }
0xf3: {  	vm0 =	vlt.u32 v5, $0x4000  }
0xf4: {  	v5 =	vnsel vm0, $0x0, v5;
	_ =	sdelay $0x3  }
0xf5: {  	v6 =	vld [tilespmem:s16+$0x1A000]  }
0xf6: {  	v7 =	vld.idx.msk [tilespmem:v5+s3+$0x0], vm0;
	_ =	sdelay $0x4  }
0xf7: {  	vm1 =	vlt.f32 v6, v7  }
0xf8: {  	vm0 =	vmand vm0, vm1  }
0xf9: {  	v7 =	vmpcnt.ones.xlane vm0;
	_ =	sdelay $0x1  }
0xfa: {  	(v2sf) =	vpush v7, $0x0;
	_ =	sdelay $0xe  }
0xfb: {  	s22 =	spop (v2sf)  }
0xfc: {  	p1 =	slt.s32 s22, $0x1  }
.Ltmp18:
0xfd: {  	_ = 	snop;
	(pc) =	sbr.rel @p1 .LBB2_17-.Ltmp18, $1  }
0xfe: {  	_ =	sdelay $0x3  }
.LBB2_16:
0xff: {  	[tilespmem:v5+s3+$0x0] =	vst.idx.msk vm0, v6  }
0x100: {  	v7 =	vld.idx.msk [tilespmem:v5+s3+$0x0], vm0;
	_ =	sdelay $0x4  }
0x101: {  	vm1 =	vlt.f32 v6, v7  }
0x102: {  	vm0 =	vmand vm0, vm1  }
0x103: {  	v7 =	vmpcnt.ones.xlane vm0;
	_ =	sdelay $0x1  }
0x104: {  	(v2sf) =	vpush v7, $0x0;
	_ =	sdelay $0xe  }
0x105: {  	s16 =	spop (v2sf)  }
0x106: {  	p1 =	sgt.s32 s16, $0x0  }
.Ltmp19:
0x107: {  	_ = 	snop;
	(pc) =	sbr.rel @p1 .LBB2_16-.Ltmp19, $1  }
0x108: {  	_ =	sdelay $0x3  }
.Ltmp20:
0x109: {  	_ = 	snop;
	(pc) =	sbr.rel .LBB2_17-.Ltmp20, $1  }
0x10a: {  	_ =	sdelay $0x3  }
.LBB2_19:
0x10b: {  	s15 =	simm.s32 $0x14000;
	s16 =	rddreg [dreg:$0xf]  }
0x10c: {  	[tilespmem:s15], [sflag:$0x1] =	stream.linear.gather [hbm4b:s16+s3], $0x1000, $0x38;
	[tilespmem:$0x1E000] =	vst v63  }
0x10d: {  	s17 =	simm.s32 $0x15000;
	s19 =	rddreg [dreg:$0x10]  }
0x10e: {  	[tilespmem:s17], [sflag:$0x1] =	stream.linear.gather [hbm4b:s19+s3], $0x1000, $0x38;
	[tilespmem:$0x1E000] =	vst v63  }
0x10f: {  	s21 =	sadd.s32 s4, s13;
	s22 =	simm.s32 $0x16000  }
0x110: {  	[tilespmem:s22], [sflag:$0x1] =	stream.linear.gather [hbm4b:s21+s3], $0x1000, $0x38;
	[tilespmem:$0x1E000] =	vst v63  }
.Ltmp21:
0x111: {  	_ = 	snop;
	(pc) =	sbr.rel @p0 .LBB2_26-.Ltmp21, $4  }
0x112: {  	s17 =	sadd.s32 s5, s13;
	s19 =	simm.s32 $0x17000  }
0x113: {  	[tilespmem:s19], [sflag:$0x1] =	stream.linear.gather [hbm4b:s17+s3], $0x1000, $0x38;
	[tilespmem:$0x1E000] =	vst v63  }
0x114: {  	s21 =	sadd.s32 s7, s13;
	s22 =	simm.s32 $0x18000  }
0x115: {  	[tilespmem:s22], [sflag:$0x1] =	stream.linear.gather [hbm4b:s21+s3], $0x1000, $0x38;
	[tilespmem:$0x1E000] =	vst v63  }
0x116: {  	s13 =	simm.s32 $0x0;
	s15 =	simm.s32 $0x0  }
.LBB2_21:
0x117: {  	s16 =	sshll.u32 s15, $0xD  }
0x118: {  	s17 =	sadd.s32 s16, s11  }
0x119: {  	s17 =	sshrl.u32 s17, $0x3  }
0x11a: {  	s19 =	sadd.s32 s1, s17  }
0x11b: {  	[tilespmem:s23], [sflag:$0x2] =	stream.linear.gather [hbm4b:s19+s13], $0x1000, $0x38;
	[tilespmem:$0x1E000] =	vst v63  }
0x11c: {  	s22 =	sadd.s32 s2, s17  }
0x11d: {  	[tilespmem:s24], [sflag:$0x2] =	stream.linear.gather [hbm4b:s22+s13], $0x1000, $0x38;
	[tilespmem:$0x1E000] =	vst v63  }
0x11e: {  	s21 =	sadd.s32 s4, s17  }
0x11f: {  	[tilespmem:s31], [sflag:$0x2] =	stream.linear.gather [hbm4b:s21+s13], $0x1000, $0x38;
	[tilespmem:$0x1E000] =	vst v63  }
0x120: {  	s22 =	sadd.s32 s5, s17  }
0x121: {  	[tilespmem:s0], [sflag:$0x2] =	stream.linear.gather [hbm4b:s22+s13], $0x1000, $0x38;
	[tilespmem:$0x1E000] =	vst v63  }
0x122: {  	s17 =	sadd.s32 s7, s17  }
0x123: {  	[tilespmem:s6], [sflag:$0x2] =	stream.linear.gather [hbm4b:s17+s13], $0x1000, $0x38;
	[tilespmem:$0x1E000] =	vst v63  }
0x124: {  	_ =	swait.ge [sflag:s25], $0x1000  }
0x125: {  	[sflag:s25] =	ssyncset.done $0x0  }
0x126: {  	[sflag:s25] =	ssyncadd.s32 $0xFFFFF000  }
0x127: {  	_ =	swait.ge [sflag:s25], $0x1000  }
0x128: {  	[sflag:s25] =	ssyncset.done $0x0  }
0x129: {  	[sflag:s25] =	ssyncadd.s32 $0xFFFFF000  }
0x12a: {  	_ =	swait.ge [sflag:s25], $0x1000  }
0x12b: {  	[sflag:s25] =	ssyncset.done $0x0  }
0x12c: {  	[sflag:s25] =	ssyncadd.s32 $0xFFFFF000  }
0x12d: {  	_ =	swait.ge [sflag:s25], $0x1000  }
0x12e: {  	[sflag:s25] =	ssyncset.done $0x0  }
0x12f: {  	[sflag:s25] =	ssyncadd.s32 $0xFFFFF000  }
0x130: {  	_ =	swait.ge [sflag:s25], $0x1000  }
0x131: {  	[sflag:s25] =	ssyncset.done $0x0  }
0x132: {  	s17 =	simm.s32 $0x0;
	[sflag:s25] =	ssyncadd.s32 $0xFFFFF000  }
.LBB2_22:
0x133: {  	s19 =	sshra.s32 s17, $0x2  }
0x134: {  	v5 =	vld [tilespmem:s19+$0x14000];
	_ =	sdelay $0x4  }
0x135: {  	v5 =	vsub.s32 v5, v0  }
0x136: {  	vm0 =	vlt.u32 v5, $0x4000  }
0x137: {  	v5 =	vnsel vm0, $0x0, v5;
	_ =	sdelay $0x4  }
0x138: {  	v6 =	vld.idx.msk [tilespmem:v5+s3+$0x0], vm0;
	_ =	sdelay $0x3  }
0x139: {  	v7 =	vld [tilespmem:s19+$0x15000]  }
0x13a: {  	v6 =	vmul.f32 $1.000010010e+00, v6;
	_ =	sdelay $0x1  }
0x13b: {  	v6 =	vadd.f32 $9.999999740e-06, v6;
	_ =	sdelay $0x1  }
0x13c: {  	vm1 =	vle.f32 v7, v6  }
0x13d: {  	vm0 =	vmand vm0, vm1;
	_ =	sdelay $0x5  }
0x13e: {  	[tilespmem:v5+s20+$0x0] =	vst.idx.add.f32.msk vm0, v4  }
0x13f: {  	v6 =	vld [tilespmem:s19+$0x16000];
	_ =	sdelay $0x4  }
0x140: {  	[tilespmem:v5+s28+$0x0] =	vst.idx.add.f32.msk vm0, v6  }
0x141: {  	v6 =	vld [tilespmem:s19+$0x17000];
	_ =	sdelay $0x4  }
0x142: {  	[tilespmem:v5+s29+$0x0] =	vst.idx.add.f32.msk vm0, v6  }
0x143: {  	p1 =	sne.s32 s17, $0x3FC0;
	v6 =	vld [tilespmem:s19+$0x18000]  }
.Ltmp22:
0x144: {  	_ = 	snop;
	(pc) =	sbr.rel @p1 .LBB2_22-.Ltmp22, $2  }
0x145: {  	_ =	sdelay $0x2  }
0x146: {  	s17 =	sadd.s32 $0x40, s17;
	[tilespmem:v5+s30+$0x0] =	vst.idx.add.f32.msk vm0, v6  }
0x147: {  	s16 =	sadd.s32 s12, s16  }
0x148: {  	p1 =	sge.s32 s16, s14  }
0x149: {  	s16 =	sadd.s32 @!p1 s10, s16  }
0x14a: {  	s16 =	sshrl.u32 @!p1 s16, $0x3  }
0x14b: {  	s19 =	simm.s32 @!p1 $0x0;
	s21 =	simm.s32 @!p1 $0x14000;
	s17 =	sadd.s32 @!p1 s1, s16  }
0x14c: {  	[tilespmem:s21], [sflag:$0x1] =	stream.linear.gather @!p1 [hbm4b:s17+s19], $0x1000, $0x38;
	[tilespmem:$0x1E000] =	vst v63  }
0x14d: {  	s17 =	sadd.s32 @!p1 s2, s16;
	s21 =	simm.s32 @!p1 $0x15000  }
0x14e: {  	[tilespmem:s21], [sflag:$0x1] =	stream.linear.gather @!p1 [hbm4b:s17+s19], $0x1000, $0x38;
	[tilespmem:$0x1E000] =	vst v63  }
0x14f: {  	s17 =	sadd.s32 @!p1 s4, s16;
	s21 =	simm.s32 @!p1 $0x16000  }
0x150: {  	[tilespmem:s21], [sflag:$0x1] =	stream.linear.gather @!p1 [hbm4b:s17+s19], $0x1000, $0x38;
	[tilespmem:$0x1E000] =	vst v63  }
0x151: {  	s17 =	sadd.s32 @!p1 s5, s16;
	s21 =	simm.s32 @!p1 $0x17000  }
0x152: {  	[tilespmem:s21], [sflag:$0x1] =	stream.linear.gather @!p1 [hbm4b:s17+s19], $0x1000, $0x38;
	[tilespmem:$0x1E000] =	vst v63  }
0x153: {  	s16 =	sadd.s32 @!p1 s7, s16;
	s17 =	simm.s32 @!p1 $0x18000  }
0x154: {  	[tilespmem:s17], [sflag:$0x1] =	stream.linear.gather @!p1 [hbm4b:s16+s19], $0x1000, $0x38;
	[tilespmem:$0x1E000] =	vst v63  }
0x155: {  	_ =	swait.ge [sflag:s26], $0x1000  }
0x156: {  	[sflag:s26] =	ssyncset.done $0x0  }
0x157: {  	[sflag:s26] =	ssyncadd.s32 $0xFFFFF000  }
0x158: {  	_ =	swait.ge [sflag:s26], $0x1000  }
0x159: {  	[sflag:s26] =	ssyncset.done $0x0  }
0x15a: {  	[sflag:s26] =	ssyncadd.s32 $0xFFFFF000  }
0x15b: {  	_ =	swait.ge [sflag:s26], $0x1000  }
0x15c: {  	[sflag:s26] =	ssyncset.done $0x0  }
0x15d: {  	[sflag:s26] =	ssyncadd.s32 $0xFFFFF000  }
0x15e: {  	_ =	swait.ge [sflag:s26], $0x1000  }
0x15f: {  	[sflag:s26] =	ssyncset.done $0x0  }
0x160: {  	[sflag:s26] =	ssyncadd.s32 $0xFFFFF000  }
0x161: {  	_ =	swait.ge [sflag:s26], $0x1000  }
0x162: {  	[sflag:s26] =	ssyncset.done $0x0  }
0x163: {  	s16 =	simm.s32 $0x0;
	[sflag:s26] =	ssyncadd.s32 $0xFFFFF000  }
.LBB2_24:
0x164: {  	s17 =	sshra.s32 s16, $0x2  }
0x165: {  	v5 =	vld [tilespmem:s17+$0x19000];
	_ =	sdelay $0x4  }
0x166: {  	v5 =	vsub.s32 v5, v0  }
0x167: {  	vm0 =	vlt.u32 v5, $0x4000  }
0x168: {  	v5 =	vnsel vm0, $0x0, v5;
	_ =	sdelay $0x4  }
0x169: {  	v6 =	vld.idx.msk [tilespmem:v5+s3+$0x0], vm0;
	_ =	sdelay $0x3  }
0x16a: {  	v7 =	vld [tilespmem:s17+$0x1A000]  }
0x16b: {  	v6 =	vmul.f32 $1.000010010e+00, v6;
	_ =	sdelay $0x1  }
0x16c: {  	v6 =	vadd.f32 $9.999999740e-06, v6;
	_ =	sdelay $0x1  }
0x16d: {  	vm1 =	vle.f32 v7, v6  }
0x16e: {  	vm0 =	vmand vm0, vm1;
	_ =	sdelay $0x5  }
0x16f: {  	[tilespmem:v5+s20+$0x0] =	vst.idx.add.f32.msk vm0, v4  }
0x170: {  	v6 =	vld [tilespmem:s17+$0x1B000];
	_ =	sdelay $0x4  }
0x171: {  	[tilespmem:v5+s28+$0x0] =	vst.idx.add.f32.msk vm0, v6  }
0x172: {  	v6 =	vld [tilespmem:s17+$0x1C000];
	_ =	sdelay $0x4  }
0x173: {  	[tilespmem:v5+s29+$0x0] =	vst.idx.add.f32.msk vm0, v6  }
0x174: {  	p1 =	sne.s32 s16, $0x3FC0;
	v6 =	vld [tilespmem:s17+$0x1D000]  }
.Ltmp23:
0x175: {  	_ = 	snop;
	(pc) =	sbr.rel @p1 .LBB2_24-.Ltmp23, $2  }
0x176: {  	_ =	sdelay $0x2  }
0x177: {  	s16 =	sadd.s32 $0x40, s16;
	[tilespmem:v5+s30+$0x0] =	vst.idx.add.f32.msk vm0, v6  }
0x178: {  	s15 =	sadd.s32 $0x1, s15  }
0x179: {  	p1 =	sne.s32 s15, s18  }
.Ltmp24:
0x17a: {  	_ = 	snop;
	(pc) =	sbr.rel @p1 .LBB2_21-.Ltmp24, $4  }
.Ltmp25:
0x17b: {  	_ = 	snop;
	(pc) =	sbr.rel @!p1 .LBB2_26-.Ltmp25, $4  }
0x17c: {  	_ = 	snop  }
0x17d: {  	_ = 	snop  }
0x17e: {  	_ = 	snop  }
0x17f: {  	_ = 	snop  }
.LBB2_28:
0x180: {  	_ =	sfence.sel $0x180000  }
0x181: {  	[bflag:$0x0] =	sbarrier.arrive $0xFFFF  }
0x182: {  	_ =	strace $0x90000047  }
0x183: {  	s0 =	stileid.u32;
	[bflag:$0x2] =	sbarrier.arrive $0xFFFF  }
0x184: {  	p0 =	sne.s32 s0, $0x0;
	s0 =	rddreg [dreg:$0x3]  }
0x185: {  	s0 =	sadd.s32 @!p0 $0x100000, s0  }
0x186: {  	[sflag:s0] =	ssyncadd.tile.s32 @!p0 $0x1;
	_ =	shalt  }
.Lfunc_end2:
_tile_overlayer_lowered:
.L_overlay_start_2:
0x187: {  	(tag) =	ssettag $0x2  }
0x188: {  	s0 =	rddreg [dreg:$0x0];
	s2 =	stileid.u32  }
0x189: {  	s1 =	rddreg [dreg:$0x1];
	p0 =	sne.s32 s2, $0x0  }
0x18a: {  	s3 =	rddreg [dreg:$0x2];
	[bflag:$0x3] =	sbarrier.arrive $0xFFFF;
	s2 =	simm.s32 @!p0 $0x1C04  }
0x18b: {  	[timem:s3], [sflag:s2] =	dma.local @!p0 [hbm:s0], s1  }
0x18c: {  	s0 =	simm.s32 @!p0 $0x4  }
0x18d: {  	_ =	swait.ge @!p0 [sflag:s0], s1  }
0x18e: {  	s1 =	ssub.s32 @!p0 $0x0, s1;
	[sflag:s0] =	ssyncset.done @!p0 $0x0  }
0x18f: {  	[sflag:s0] =	ssyncadd.s32 @!p0 s1  }
0x190: {  	[bflag:$0x3] =	sbarrier.arrive $0xFFFF  }
0x191: {  	_ =	shalt  }

</sc_bundles>
